<compile_context>
chip_gen: v7x
topology: tpu7x:2x2x1
jax: 0.10.2.dev20260603
libtpu: 0.0.44.dev20260713+nightly
codegen_flags: <defaults>
</compile_context>

<pallas_src>
import jax
import jax.numpy as jnp
from jax import lax
from jax.experimental import pallas as pl
from jax.experimental.pallas import tpu as pltpu
from jax.experimental.pallas import tpu_sc as plsc

D_MODEL = 64
NUM_WORKERS = 32
CHUNK = 128
LANES = 16


def _transpose_block(g_v, o_v):
    iota = lax.iota(jnp.int32, LANES)
    rows = [iota + g * LANES for g in range(D_MODEL // LANES)]

    @plsc.parallel_loop(0, CHUNK, unroll=8, carry=jnp.zeros((LANES,), jnp.int32))
    def _(j, j_vec):
        for g in range(D_MODEL // LANES):
            vals = g_v[j, pl.ds(g * LANES, LANES)]
            plsc.store_scatter(o_v, [rows[g], j_vec], vals)
        return j_vec + 1


def _emb_body(idx_hbm, table_hbm, out_hbm, idx_v, g_a, g_b,
              o_a, o_b, gsem_a, gsem_b, ssem_a, ssem_b):
    wid = lax.axis_index("s") * 2 + lax.axis_index("c")
    n_chunks_total = idx_hbm.shape[0]
    chunks_per_w = n_chunks_total // NUM_WORKERS
    chunk0 = wid * chunks_per_w
    n_batch_blocks = out_hbm.shape[2] // CHUNK

    pltpu.sync_copy(idx_hbm.at[pl.ds(chunk0, chunks_per_w)], idx_v)

    def start_gather(buf, sem, c_local):
        pltpu.async_copy(table_hbm.at[idx_v.at[c_local]], buf, sem)

    def wait_gather(buf, sem):
        pltpu.make_async_copy(table_hbm.at[pl.ds(0, CHUNK)], buf, sem).wait()

    def start_store(o_v, sem, c_local):
        c = chunk0 + c_local
        h = c // n_batch_blocks
        b0 = (c % n_batch_blocks) * CHUNK
        for r in range(D_MODEL // 8):
            pltpu.async_copy(
                o_v.at[pl.ds(r * 8, 8)],
                out_hbm.at[h, pl.ds(r * 8, 8), pl.ds(b0, CHUNK)],
                sem,
            )

    def wait_store(o_v, sem):
        pltpu.make_async_copy(
            o_v, out_hbm.at[0, pl.ds(0, D_MODEL), pl.ds(0, CHUNK)], sem
        ).wait()

    start_gather(g_a, gsem_a, 0)

    def body(i, carry):
        ca = 2 * i
        cb = 2 * i + 1

        start_gather(g_b, gsem_b, cb)
        wait_gather(g_a, gsem_a)

        @pl.when(i > 0)
        def _():
            wait_store(o_a, ssem_a)
        _transpose_block(g_a, o_a)
        start_store(o_a, ssem_a, ca)

        @pl.when(i < chunks_per_w // 2 - 1)
        def _():
            start_gather(g_a, gsem_a, ca + 2)
        wait_gather(g_b, gsem_b)

        @pl.when(i > 0)
        def _():
            wait_store(o_b, ssem_b)
        _transpose_block(g_b, o_b)
        start_store(o_b, ssem_b, cb)

        return carry

    lax.fori_loop(0, chunks_per_w // 2, body, 0)
    wait_store(o_a, ssem_a)
    wait_store(o_b, ssem_b)


def _pack_body(t_ref, o_ref):
    t = t_ref[...].T
    o_ref[...] = jnp.concatenate([t, t], axis=1)


def _pack_table(table_t):
    d, v = table_t.shape
    vblk = 16384
    return pl.pallas_call(
        _pack_body,
        grid=(pl.cdiv(v, vblk),),
        in_specs=[pl.BlockSpec((d, vblk), lambda i: (0, i))],
        out_specs=pl.BlockSpec((vblk, 2 * d), lambda i: (i, 0)),
        out_shape=jax.ShapeDtypeStruct((v, 2 * d), jnp.float32),
    )(table_t)


@jax.jit
def kernel(x, table):
    b, h = x.shape
    v, d = table.shape
    n_chunks = (b * h) // CHUNK
    xt = x.T.reshape(n_chunks, CHUNK).astype(jnp.int32)
    table2 = _pack_table(table.T)
    mesh = plsc.VectorSubcoreMesh(core_axis_name="c", subcore_axis_name="s")
    gather = pl.kernel(
        _emb_body,
        out_type=jax.ShapeDtypeStruct((h, d, b), jnp.float32),
        mesh=mesh,
        scratch_types=[
            pltpu.VMEM((n_chunks // NUM_WORKERS, CHUNK), jnp.int32),
            pltpu.VMEM((CHUNK, 128), jnp.float32),
            pltpu.VMEM((CHUNK, 128), jnp.float32),
            pltpu.VMEM((d, CHUNK), jnp.float32),
            pltpu.VMEM((d, CHUNK), jnp.float32),
            pltpu.SemaphoreType.DMA,
            pltpu.SemaphoreType.DMA,
            pltpu.SemaphoreType.DMA,
            pltpu.SemaphoreType.DMA,
        ],
        compiler_params=pltpu.CompilerParams(use_tc_tiling_on_sc=True,
                                             needs_layout_passes=False),
    )
    out = gather(xt, table2)
    return out.transpose(2, 0, 1)

# --- scband reference (transcript-rebuilt; emitter-appended) ---
"""Pipeline reference for scband-embedder-71777493451079 (READ-ONLY COPY).

The authoritative reference and input builder live on the scoring server;
editing this copy changes nothing except your own understanding.
"""

import jax, jax.numpy as jnp
import numpy as np

VOCAB = 1000000
D_MODEL = 64
BATCH = 16384
HIST = 50

def setup_inputs(seed: int = 0) -> dict:
    key = jax.random.key(seed)
    k_idx, k_tab = jax.random.split(key)
    x = jax.random.randint(k_idx, (BATCH, HIST), 0, VOCAB, dtype=jnp.int64 if jax.config.jax_enable_x64 else jnp.int32)
    table = jax.random.normal(k_tab, (VOCAB, D_MODEL), dtype=jnp.float32)
    return {"x": x, "table": table}

def reference(x, table):
    # nn.Embedding forward: row gather from the embedding table
    return jnp.take(table, x, axis=0)

if __name__ == "__main__":
    import jax
    _d = setup_inputs()
    print(jax.jit(kernel)(*tuple(_d.values())))

</pallas_src>

<mosaic_0001>
#map = affine_map<(d0, d1) -> (0, 0)>
#map1 = affine_map<(d0, d1) -> (0, 0, 0)>
module attributes {stable_mosaic.version = 14 : i64} {
  func.func @_emb_body(%arg0: i32, %arg1: i32, %arg2: memref<6400x128xi32, #tpu.memory_space<hbm>>, %arg3: memref<1000000x128xf32, #tpu.memory_space<hbm>>, %arg4: memref<50x64x16384xf32, #tpu.memory_space<hbm>>, %arg5: memref<200x128xi32, #tpu.memory_space<vmem>>, %arg6: memref<128x128xf32, #tpu.memory_space<vmem>>, %arg7: memref<128x128xf32, #tpu.memory_space<vmem>>, %arg8: memref<64x128xf32, #tpu.memory_space<vmem>>, %arg9: memref<64x128xf32, #tpu.memory_space<vmem>>, %arg10: memref<!tpu.dma_semaphore, #tpu.memory_space<semaphore_mem>>, %arg11: memref<!tpu.dma_semaphore, #tpu.memory_space<semaphore_mem>>, %arg12: memref<!tpu.dma_semaphore, #tpu.memory_space<semaphore_mem>>, %arg13: memref<!tpu.dma_semaphore, #tpu.memory_space<semaphore_mem>>) attributes {dimension_semantics = [#tpu.dimension_semantics<core_parallel>, #tpu.dimension_semantics<subcore_parallel>], iteration_bounds = array<i64: 2, 16>, scalar_prefetch = 0 : i64, scratch_operands = 9 : i64, tpu.core_type = #tpu.core_type<sc_vector_subcore>, window_params = [{transform_indices = #map}, {transform_indices = #map}, {transform_indices = #map1}]} {
    %mul3A = arith.constant 2 : i32
    %mul3A_0 = arith.muli %arg1, %mul3A : i32
    %add3A = arith.addi %mul3A_0, %arg0 : i32
    %mul3A_1 = arith.constant 200 : i32
    %mul3A_2 = arith.muli %add3A, %mul3A_1 : i32
    "tpu.region"() ({
      %run_scoped3A = tpu.sem_alloc : memref<!tpu.dma_semaphore, #tpu.memory_space<semaphore_mem>>
      %dma_start3A_31 = arith.constant 0 : i32
      %dma_start3A_32 = tpu.memref_slice %arg2[%mul3A_2, %dma_start3A_31] : memref<6400x128xi32, #tpu.memory_space<hbm>> -> memref<200x128xi32, #tpu.memory_space<hbm>>
      %dma_start3A_33 = arith.constant 0 : i32
      %dma_start3A_34 = tpu.memref_slice %arg2[%mul3A_2, %dma_start3A_33] : memref<6400x128xi32, #tpu.memory_space<hbm>> -> memref<200x128xi32, #tpu.memory_space<hbm>>
      tpu.enqueue_dma source(%dma_start3A_34 : memref<200x128xi32, #tpu.memory_space<hbm>>) target(%arg5 : memref<200x128xi32, #tpu.memory_space<vmem>>) target_semaphore(%run_scoped3A : memref<!tpu.dma_semaphore, #tpu.memory_space<semaphore_mem>>)
      %dma_wait3A_35 = arith.constant 0 : i32
      %dma_wait3A_36 = tpu.memref_slice %arg2[%mul3A_2, %dma_wait3A_35] : memref<6400x128xi32, #tpu.memory_space<hbm>> -> memref<200x128xi32, #tpu.memory_space<hbm>>
      %dma_wait3A_37 = arith.constant 0 : i32
      %dma_wait3A_38 = tpu.memref_slice %arg2[%mul3A_2, %dma_wait3A_37] : memref<6400x128xi32, #tpu.memory_space<hbm>> -> memref<200x128xi32, #tpu.memory_space<hbm>>
      tpu.wait_dma2 semaphore(%run_scoped3A : memref<!tpu.dma_semaphore, #tpu.memory_space<semaphore_mem>>) src(%dma_wait3A_38 : memref<200x128xi32, #tpu.memory_space<hbm>>) dst(%arg5 : memref<200x128xi32, #tpu.memory_space<vmem>>)
      tpu.yield
    }) : () -> ()
    %dma_start3A = arith.constant 0 : i32
    %dma_start3A_3 = arith.constant 0 : i32
    %dma_start3A_4 = tpu.memref_slice %arg5[%dma_start3A, %dma_start3A_3] : memref<200x128xi32, #tpu.memory_space<vmem>> -> memref<1x128xi32, #tpu.memory_space<vmem>>
    %dma_start3A_5 = tpu.memref_squeeze %dma_start3A_4 : memref<1x128xi32, #tpu.memory_space<vmem>> -> memref<128xi32, #tpu.memory_space<vmem>>
    %dma_start3A_6 = arith.constant 0 : i32
    %dma_start3A_7 = arith.constant 0 : i32
    %dma_start3A_8 = tpu.memref_slice %arg3[%dma_start3A_6, %dma_start3A_7] : memref<1000000x128xf32, #tpu.memory_space<hbm>> -> memref<1000000x128xf32, #tpu.memory_space<hbm>>
    tpu.enqueue_indirect_dma source(%dma_start3A_8 : memref<1000000x128xf32, #tpu.memory_space<hbm>>) target(%arg6 : memref<128x128xf32, #tpu.memory_space<vmem>>) offsets(%dma_start3A_5 : memref<128xi32, #tpu.memory_space<vmem>>) semaphore(%arg10 : memref<!tpu.dma_semaphore, #tpu.memory_space<semaphore_mem>>)
    %scan3A = arith.constant 0 : i32
    %scan3A_9 = arith.constant 0 : i32
    %scan3A_10 = arith.constant 100 : i32
    %scan3A_11 = arith.addi %scan3A_9, %scan3A_10 : i32
    %scan3A_12 = arith.constant 1 : i32
    scf.for %scan3A_31 = %scan3A_9 to %scan3A_11 step %scan3A_12  : i32 {
      %mul3A_32 = arith.constant 2 : i32
      %mul3A_33 = arith.muli %mul3A_32, %scan3A_31 : i32
      %mul3A_34 = arith.constant 2 : i32
      %mul3A_35 = arith.muli %mul3A_34, %scan3A_31 : i32
      %add3A_36 = arith.constant 1 : i32
      %add3A_37 = arith.addi %mul3A_35, %add3A_36 : i32
      %dma_start3A_38 = arith.constant 0 : i32
      %dma_start3A_39 = tpu.memref_slice %arg5[%add3A_37, %dma_start3A_38] : memref<200x128xi32, #tpu.memory_space<vmem>> -> memref<1x128xi32, #tpu.memory_space<vmem>>
      %dma_start3A_40 = tpu.memref_squeeze %dma_start3A_39 : memref<1x128xi32, #tpu.memory_space<vmem>> -> memref<128xi32, #tpu.memory_space<vmem>>
      %dma_start3A_41 = arith.constant 0 : i32
      %dma_start3A_42 = arith.constant 0 : i32
      %dma_start3A_43 = tpu.memref_slice %arg3[%dma_start3A_41, %dma_start3A_42] : memref<1000000x128xf32, #tpu.memory_space<hbm>> -> memref<1000000x128xf32, #tpu.memory_space<hbm>>
      tpu.enqueue_indirect_dma source(%dma_start3A_43 : memref<1000000x128xf32, #tpu.memory_space<hbm>>) target(%arg7 : memref<128x128xf32, #tpu.memory_space<vmem>>) offsets(%dma_start3A_40 : memref<128xi32, #tpu.memory_space<vmem>>) semaphore(%arg11 : memref<!tpu.dma_semaphore, #tpu.memory_space<semaphore_mem>>)
      %dma_wait3A_44 = arith.constant 0 : i32
      %dma_wait3A_45 = arith.constant 0 : i32
      %dma_wait3A_46 = tpu.memref_slice %arg3[%dma_wait3A_44, %dma_wait3A_45] : memref<1000000x128xf32, #tpu.memory_space<hbm>> -> memref<128x128xf32, #tpu.memory_space<hbm>>
      %dma_wait3A_47 = arith.constant 0 : i32
      %dma_wait3A_48 = arith.constant 0 : i32
      %dma_wait3A_49 = tpu.memref_slice %arg3[%dma_wait3A_47, %dma_wait3A_48] : memref<1000000x128xf32, #tpu.memory_space<hbm>> -> memref<128x128xf32, #tpu.memory_space<hbm>>
      tpu.wait_dma2 semaphore(%arg10 : memref<!tpu.dma_semaphore, #tpu.memory_space<semaphore_mem>>) src(%dma_wait3A_49 : memref<128x128xf32, #tpu.memory_space<hbm>>) dst(%arg6 : memref<128x128xf32, #tpu.memory_space<vmem>>)
      %gt3A = arith.constant 0 : i32
      %gt3A_50 = arith.cmpi sgt, %scan3A_31, %gt3A : i32
      %convert_element_type3A = arith.extui %gt3A_50 : i1 to i32
      %cond3A = arith.constant 0 : i32
      %cond3A_51 = arith.cmpi ne, %convert_element_type3A, %cond3A : i32
      scf.if %cond3A_51 {
        %dma_wait3A_371 = arith.constant 0 : i32
        %dma_wait3A_372 = arith.constant 0 : i32
        %dma_wait3A_373 = arith.constant 0 : i32
        %dma_wait3A_374 = tpu.memref_slice %arg4[%dma_wait3A_371, %dma_wait3A_372, %dma_wait3A_373] : memref<50x64x16384xf32, #tpu.memory_space<hbm>> -> memref<1x64x128xf32, #tpu.memory_space<hbm>>
        %dma_wait3A_375 = tpu.memref_squeeze %dma_wait3A_374 : memref<1x64x128xf32, #tpu.memory_space<hbm>> -> memref<64x128xf32, #tpu.memory_space<hbm>>
        %dma_wait3A_376 = arith.constant 0 : i32
        %dma_wait3A_377 = arith.constant 0 : i32
        %dma_wait3A_378 = tpu.memref_slice %arg4[%dma_wait3A_371, %dma_wait3A_376, %dma_wait3A_377] : memref<50x64x16384xf32, #tpu.memory_space<hbm>> -> memref<1x64x128xf32, #tpu.memory_space<hbm>>
        %dma_wait3A_379 = tpu.memref_squeeze %dma_wait3A_378 : memref<1x64x128xf32, #tpu.memory_space<hbm>> -> memref<64x128xf32, #tpu.memory_space<hbm>>
        tpu.wait_dma2 semaphore(%arg12 : memref<!tpu.dma_semaphore, #tpu.memory_space<semaphore_mem>>) src(%arg8 : memref<64x128xf32, #tpu.memory_space<vmem>>) dst(%dma_wait3A_379 : memref<64x128xf32, #tpu.memory_space<hbm>>)
      } else {
      }
      %iota3A = tpu.iota {dimensions = array<i32: 0>} : vector<16xi32>
      %add3A_52 = arith.constant 0 : i32
      %add3A_53 = vector.broadcast %add3A_52 : i32 to vector<16xi32>
      %add3A_54 = arith.addi %iota3A, %add3A_53 : vector<16xi32>
      %add3A_55 = arith.constant 16 : i32
      %add3A_56 = vector.broadcast %add3A_55 : i32 to vector<16xi32>
      %add3A_57 = arith.addi %iota3A, %add3A_56 : vector<16xi32>
      %add3A_58 = arith.constant 32 : i32
      %add3A_59 = vector.broadcast %add3A_58 : i32 to vector<16xi32>
      %add3A_60 = arith.addi %iota3A, %add3A_59 : vector<16xi32>
      %add3A_61 = arith.constant 48 : i32
      %add3A_62 = vector.broadcast %add3A_61 : i32 to vector<16xi32>
      %add3A_63 = arith.addi %iota3A, %add3A_62 : vector<16xi32>
      %broadcast_in_dim3A = arith.constant 0 : i32
      %broadcast_in_dim3A_64 = vector.broadcast %broadcast_in_dim3A : i32 to vector<16xi32>
      %parallel_loop3A = arith.constant 0 : i32
      %parallel_loop3A_65 = arith.constant 128 : i32
      %parallel_loop3A_66 = arith.constant 1 : i32
      %parallel_loop3A_67 = scf.for %parallel_loop3A_371 = %parallel_loop3A to %parallel_loop3A_65 step %parallel_loop3A_66 iter_args(%parallel_loop3A_372 = %broadcast_in_dim3A_64) -> (vector<16xi32>)  : i32 {
        %parallel_loop3A_373 = arith.index_cast %parallel_loop3A_371 : i32 to index
        %parallel_loop3A_374 = arith.constant 0 : index
        %parallel_loop3A_375 = tpu.vector_load %arg6[%parallel_loop3A_373, %parallel_loop3A_374] {strides = array<i32>} : memref<128x128xf32, #tpu.memory_space<vmem>>, vector<16xf32>,
        tpu.vector_store_idx %arg8[%add3A_54, %parallel_loop3A_372], %parallel_loop3A_375 : memref<64x128xf32, #tpu.memory_space<vmem>>[vector<16xi32>, vector<16xi32>], vector<16xf32>,
        %parallel_loop3A_376 = arith.index_cast %parallel_loop3A_371 : i32 to index
        %parallel_loop3A_377 = arith.constant 16 : index
        %parallel_loop3A_378 = tpu.vector_load %arg6[%parallel_loop3A_376, %parallel_loop3A_377] {strides = array<i32>} : memref<128x128xf32, #tpu.memory_space<vmem>>, vector<16xf32>,
        tpu.vector_store_idx %arg8[%add3A_57, %parallel_loop3A_372], %parallel_loop3A_378 : memref<64x128xf32, #tpu.memory_space<vmem>>[vector<16xi32>, vector<16xi32>], vector<16xf32>,
        %parallel_loop3A_379 = arith.index_cast %parallel_loop3A_371 : i32 to index
        %parallel_loop3A_380 = arith.constant 32 : index
        %parallel_loop3A_381 = tpu.vector_load %arg6[%parallel_loop3A_379, %parallel_loop3A_380] {strides = array<i32>} : memref<128x128xf32, #tpu.memory_space<vmem>>, vector<16xf32>,
        tpu.vector_store_idx %arg8[%add3A_60, %parallel_loop3A_372], %parallel_loop3A_381 : memref<64x128xf32, #tpu.memory_space<vmem>>[vector<16xi32>, vector<16xi32>], vector<16xf32>,
        %parallel_loop3A_382 = arith.index_cast %parallel_loop3A_371 : i32 to index
        %parallel_loop3A_383 = arith.constant 48 : index
        %parallel_loop3A_384 = tpu.vector_load %arg6[%parallel_loop3A_382, %parallel_loop3A_383] {strides = array<i32>} : memref<128x128xf32, #tpu.memory_space<vmem>>, vector<16xf32>,
        tpu.vector_store_idx %arg8[%add3A_63, %parallel_loop3A_372], %parallel_loop3A_384 : memref<64x128xf32, #tpu.memory_space<vmem>>[vector<16xi32>, vector<16xi32>], vector<16xf32>,
        %parallel_loop3A_385 = arith.constant 1 : i32
        %parallel_loop3A_386 = vector.broadcast %parallel_loop3A_385 : i32 to vector<16xi32>
        %parallel_loop3A_387 = arith.addi %parallel_loop3A_372, %parallel_loop3A_386 : vector<16xi32>
        scf.yield %parallel_loop3A_387 : vector<16xi32>
      } {sc.loop_unroll_factor = 8 : i64, sc.parallel_access}
      %add3A_68 = arith.addi %mul3A_2, %mul3A_33 : i32
      %jit3A = arith.constant 128 : i32
      %div3A = arith.divsi %add3A_68, %jit3A : i32
      %sign3A = arith.constant 0 : i32
      %sign3A_69 = arith.cmpi sgt, %add3A_68, %sign3A : i32
      %sign3A_70 = arith.extui %sign3A_69 : i1 to i32
      %sign3A_71 = arith.constant 0 : i32
      %sign3A_72 = arith.cmpi slt, %add3A_68, %sign3A_71 : i32
      %sign3A_73 = arith.extui %sign3A_72 : i1 to i32
      %sign3A_74 = arith.subi %sign3A_70, %sign3A_73 : i32
      %sign3A_75 = arith.constant 0 : i32
      %sign3A_76 = arith.cmpi sgt, %jit3A, %sign3A_75 : i32
      %sign3A_77 = arith.extui %sign3A_76 : i1 to i32
      %sign3A_78 = arith.constant 0 : i32
      %sign3A_79 = arith.cmpi slt, %jit3A, %sign3A_78 : i32
      %sign3A_80 = arith.extui %sign3A_79 : i1 to i32
      %sign3A_81 = arith.subi %sign3A_77, %sign3A_80 : i32
      %ne3A = arith.cmpi ne, %sign3A_74, %sign3A_81 : i32
      %rem3A = arith.remsi %add3A_68, %jit3A : i32
      %ne3A_82 = arith.constant 0 : i32
      %ne3A_83 = arith.cmpi ne, %rem3A, %ne3A_82 : i32
      %and3A = arith.andi %ne3A, %ne3A_83 : i1
      %sub3A = arith.constant 1 : i32
      %sub3A_84 = arith.subi %div3A, %sub3A : i32
      %select_n3A = arith.select %and3A, %sub3A_84, %div3A : i32
      %jit3A_85 = arith.constant 128 : i32
      %eq3A = arith.constant 0 : i32
      %eq3A_86 = arith.cmpi eq, %jit3A_85, %eq3A : i32
      %jit3A_87 = arith.constant 1 : i32
      %select_n3A_88 = arith.select %eq3A_86, %jit3A_87, %jit3A_85 : i32
      %rem3A_89 = arith.remsi %add3A_68, %select_n3A_88 : i32
      %ne3A_90 = arith.constant 0 : i32
      %ne3A_91 = arith.cmpi ne, %rem3A_89, %ne3A_90 : i32
      %lt3A = arith.constant 0 : i32
      %lt3A_92 = arith.cmpi slt, %rem3A_89, %lt3A : i32
      %lt3A_93 = arith.constant 0 : i32
      %lt3A_94 = arith.cmpi slt, %select_n3A_88, %lt3A_93 : i32
      %ne3A_95 = arith.xori %lt3A_92, %lt3A_94 : i1
      %and3A_96 = arith.andi %ne3A_95, %ne3A_91 : i1
      %add3A_97 = arith.addi %rem3A_89, %select_n3A_88 : i32
      %select_n3A_98 = arith.select %and3A_96, %add3A_97, %rem3A_89 : i32
      %mul3A_99 = arith.constant 128 : i32
      %mul3A_100 = arith.muli %select_n3A_98, %mul3A_99 : i32
      %dma_start3A_101 = arith.constant 0 : i32
      %dma_start3A_102 = arith.constant 0 : i32
      %dma_start3A_103 = tpu.memref_slice %arg8[%dma_start3A_101, %dma_start3A_102] : memref<64x128xf32, #tpu.memory_space<vmem>> -> memref<8x128xf32, #tpu.memory_space<vmem>>
      %dma_start3A_104 = arith.constant 0 : i32
      %dma_start3A_105 = tpu.memref_slice %arg4[%select_n3A, %dma_start3A_104, %mul3A_100] : memref<50x64x16384xf32, #tpu.memory_space<hbm>> -> memref<1x8x128xf32, #tpu.memory_space<hbm>>
      %dma_start3A_106 = tpu.memref_squeeze %dma_start3A_105 : memref<1x8x128xf32, #tpu.memory_space<hbm>> -> memref<8x128xf32, #tpu.memory_space<hbm>>
      %dma_start3A_107 = arith.constant 0 : i32
      %dma_start3A_108 = tpu.memref_slice %arg4[%select_n3A, %dma_start3A_107, %mul3A_100] : memref<50x64x16384xf32, #tpu.memory_space<hbm>> -> memref<1x8x128xf32, #tpu.memory_space<hbm>>
      %dma_start3A_109 = tpu.memref_squeeze %dma_start3A_108 : memref<1x8x128xf32, #tpu.memory_space<hbm>> -> memref<8x128xf32, #tpu.memory_space<hbm>>
      %dma_start3A_110 = arith.constant 0 : i32
      %dma_start3A_111 = arith.constant 0 : i32
      %dma_start3A_112 = tpu.memref_slice %arg8[%dma_start3A_110, %dma_start3A_111] : memref<64x128xf32, #tpu.memory_space<vmem>> -> memref<8x128xf32, #tpu.memory_space<vmem>>
      tpu.enqueue_dma source(%dma_start3A_112 : memref<8x128xf32, #tpu.memory_space<vmem>>) target(%dma_start3A_109 : memref<8x128xf32, #tpu.memory_space<hbm>>) target_semaphore(%arg12 : memref<!tpu.dma_semaphore, #tpu.memory_space<semaphore_mem>>)
      %dma_start3A_113 = arith.constant 8 : i32
      %dma_start3A_114 = arith.constant 0 : i32
      %dma_start3A_115 = tpu.memref_slice %arg8[%dma_start3A_113, %dma_start3A_114] : memref<64x128xf32, #tpu.memory_space<vmem>> -> memref<8x128xf32, #tpu.memory_space<vmem>>
      %dma_start3A_116 = arith.constant 8 : i32
      %dma_start3A_117 = tpu.memref_slice %arg4[%select_n3A, %dma_start3A_116, %mul3A_100] : memref<50x64x16384xf32, #tpu.memory_space<hbm>> -> memref<1x8x128xf32, #tpu.memory_space<hbm>>
      %dma_start3A_118 = tpu.memref_squeeze %dma_start3A_117 : memref<1x8x128xf32, #tpu.memory_space<hbm>> -> memref<8x128xf32, #tpu.memory_space<hbm>>
      %dma_start3A_119 = arith.constant 8 : i32
      %dma_start3A_120 = tpu.memref_slice %arg4[%select_n3A, %dma_start3A_119, %mul3A_100] : memref<50x64x16384xf32, #tpu.memory_space<hbm>> -> memref<1x8x128xf32, #tpu.memory_space<hbm>>
      %dma_start3A_121 = tpu.memref_squeeze %dma_start3A_120 : memref<1x8x128xf32, #tpu.memory_space<hbm>> -> memref<8x128xf32, #tpu.memory_space<hbm>>
      %dma_start3A_122 = arith.constant 8 : i32
      %dma_start3A_123 = arith.constant 0 : i32
      %dma_start3A_124 = tpu.memref_slice %arg8[%dma_start3A_122, %dma_start3A_123] : memref<64x128xf32, #tpu.memory_space<vmem>> -> memref<8x128xf32, #tpu.memory_space<vmem>>
      tpu.enqueue_dma source(%dma_start3A_124 : memref<8x128xf32, #tpu.memory_space<vmem>>) target(%dma_start3A_121 : memref<8x128xf32, #tpu.memory_space<hbm>>) target_semaphore(%arg12 : memref<!tpu.dma_semaphore, #tpu.memory_space<semaphore_mem>>)
      %dma_start3A_125 = arith.constant 16 : i32
      %dma_start3A_126 = arith.constant 0 : i32
      %dma_start3A_127 = tpu.memref_slice %arg8[%dma_start3A_125, %dma_start3A_126] : memref<64x128xf32, #tpu.memory_space<vmem>> -> memref<8x128xf32, #tpu.memory_space<vmem>>
      %dma_start3A_128 = arith.constant 16 : i32
      %dma_start3A_129 = tpu.memref_slice %arg4[%select_n3A, %dma_start3A_128, %mul3A_100] : memref<50x64x16384xf32, #tpu.memory_space<hbm>> -> memref<1x8x128xf32, #tpu.memory_space<hbm>>
      %dma_start3A_130 = tpu.memref_squeeze %dma_start3A_129 : memref<1x8x128xf32, #tpu.memory_space<hbm>> -> memref<8x128xf32, #tpu.memory_space<hbm>>
      %dma_start3A_131 = arith.constant 16 : i32
      %dma_start3A_132 = tpu.memref_slice %arg4[%select_n3A, %dma_start3A_131, %mul3A_100] : memref<50x64x16384xf32, #tpu.memory_space<hbm>> -> memref<1x8x128xf32, #tpu.memory_space<hbm>>
      %dma_start3A_133 = tpu.memref_squeeze %dma_start3A_132 : memref<1x8x128xf32, #tpu.memory_space<hbm>> -> memref<8x128xf32, #tpu.memory_space<hbm>>
      %dma_start3A_134 = arith.constant 16 : i32
      %dma_start3A_135 = arith.constant 0 : i32
      %dma_start3A_136 = tpu.memref_slice %arg8[%dma_start3A_134, %dma_start3A_135] : memref<64x128xf32, #tpu.memory_space<vmem>> -> memref<8x128xf32, #tpu.memory_space<vmem>>
      tpu.enqueue_dma source(%dma_start3A_136 : memref<8x128xf32, #tpu.memory_space<vmem>>) target(%dma_start3A_133 : memref<8x128xf32, #tpu.memory_space<hbm>>) target_semaphore(%arg12 : memref<!tpu.dma_semaphore, #tpu.memory_space<semaphore_mem>>)
      %dma_start3A_137 = arith.constant 24 : i32
      %dma_start3A_138 = arith.constant 0 : i32
      %dma_start3A_139 = tpu.memref_slice %arg8[%dma_start3A_137, %dma_start3A_138] : memref<64x128xf32, #tpu.memory_space<vmem>> -> memref<8x128xf32, #tpu.memory_space<vmem>>
      %dma_start3A_140 = arith.constant 24 : i32
      %dma_start3A_141 = tpu.memref_slice %arg4[%select_n3A, %dma_start3A_140, %mul3A_100] : memref<50x64x16384xf32, #tpu.memory_space<hbm>> -> memref<1x8x128xf32, #tpu.memory_space<hbm>>
      %dma_start3A_142 = tpu.memref_squeeze %dma_start3A_141 : memref<1x8x128xf32, #tpu.memory_space<hbm>> -> memref<8x128xf32, #tpu.memory_space<hbm>>
      %dma_start3A_143 = arith.constant 24 : i32
      %dma_start3A_144 = tpu.memref_slice %arg4[%select_n3A, %dma_start3A_143, %mul3A_100] : memref<50x64x16384xf32, #tpu.memory_space<hbm>> -> memref<1x8x128xf32, #tpu.memory_space<hbm>>
      %dma_start3A_145 = tpu.memref_squeeze %dma_start3A_144 : memref<1x8x128xf32, #tpu.memory_space<hbm>> -> memref<8x128xf32, #tpu.memory_space<hbm>>
      %dma_start3A_146 = arith.constant 24 : i32
      %dma_start3A_147 = arith.constant 0 : i32
      %dma_start3A_148 = tpu.memref_slice %arg8[%dma_start3A_146, %dma_start3A_147] : memref<64x128xf32, #tpu.memory_space<vmem>> -> memref<8x128xf32, #tpu.memory_space<vmem>>
      tpu.enqueue_dma source(%dma_start3A_148 : memref<8x128xf32, #tpu.memory_space<vmem>>) target(%dma_start3A_145 : memref<8x128xf32, #tpu.memory_space<hbm>>) target_semaphore(%arg12 : memref<!tpu.dma_semaphore, #tpu.memory_space<semaphore_mem>>)
      %dma_start3A_149 = arith.constant 32 : i32
      %dma_start3A_150 = arith.constant 0 : i32
      %dma_start3A_151 = tpu.memref_slice %arg8[%dma_start3A_149, %dma_start3A_150] : memref<64x128xf32, #tpu.memory_space<vmem>> -> memref<8x128xf32, #tpu.memory_space<vmem>>
      %dma_start3A_152 = arith.constant 32 : i32
      %dma_start3A_153 = tpu.memref_slice %arg4[%select_n3A, %dma_start3A_152, %mul3A_100] : memref<50x64x16384xf32, #tpu.memory_space<hbm>> -> memref<1x8x128xf32, #tpu.memory_space<hbm>>
      %dma_start3A_154 = tpu.memref_squeeze %dma_start3A_153 : memref<1x8x128xf32, #tpu.memory_space<hbm>> -> memref<8x128xf32, #tpu.memory_space<hbm>>
      %dma_start3A_155 = arith.constant 32 : i32
      %dma_start3A_156 = tpu.memref_slice %arg4[%select_n3A, %dma_start3A_155, %mul3A_100] : memref<50x64x16384xf32, #tpu.memory_space<hbm>> -> memref<1x8x128xf32, #tpu.memory_space<hbm>>
      %dma_start3A_157 = tpu.memref_squeeze %dma_start3A_156 : memref<1x8x128xf32, #tpu.memory_space<hbm>> -> memref<8x128xf32, #tpu.memory_space<hbm>>
      %dma_start3A_158 = arith.constant 32 : i32
      %dma_start3A_159 = arith.constant 0 : i32
      %dma_start3A_160 = tpu.memref_slice %arg8[%dma_start3A_158, %dma_start3A_159] : memref<64x128xf32, #tpu.memory_space<vmem>> -> memref<8x128xf32, #tpu.memory_space<vmem>>
      tpu.enqueue_dma source(%dma_start3A_160 : memref<8x128xf32, #tpu.memory_space<vmem>>) target(%dma_start3A_157 : memref<8x128xf32, #tpu.memory_space<hbm>>) target_semaphore(%arg12 : memref<!tpu.dma_semaphore, #tpu.memory_space<semaphore_mem>>)
      %dma_start3A_161 = arith.constant 40 : i32
      %dma_start3A_162 = arith.constant 0 : i32
      %dma_start3A_163 = tpu.memref_slice %arg8[%dma_start3A_161, %dma_start3A_162] : memref<64x128xf32, #tpu.memory_space<vmem>> -> memref<8x128xf32, #tpu.memory_space<vmem>>
      %dma_start3A_164 = arith.constant 40 : i32
      %dma_start3A_165 = tpu.memref_slice %arg4[%select_n3A, %dma_start3A_164, %mul3A_100] : memref<50x64x16384xf32, #tpu.memory_space<hbm>> -> memref<1x8x128xf32, #tpu.memory_space<hbm>>
      %dma_start3A_166 = tpu.memref_squeeze %dma_start3A_165 : memref<1x8x128xf32, #tpu.memory_space<hbm>> -> memref<8x128xf32, #tpu.memory_space<hbm>>
      %dma_start3A_167 = arith.constant 40 : i32
      %dma_start3A_168 = tpu.memref_slice %arg4[%select_n3A, %dma_start3A_167, %mul3A_100] : memref<50x64x16384xf32, #tpu.memory_space<hbm>> -> memref<1x8x128xf32, #tpu.memory_space<hbm>>
      %dma_start3A_169 = tpu.memref_squeeze %dma_start3A_168 : memref<1x8x128xf32, #tpu.memory_space<hbm>> -> memref<8x128xf32, #tpu.memory_space<hbm>>
      %dma_start3A_170 = arith.constant 40 : i32
      %dma_start3A_171 = arith.constant 0 : i32
      %dma_start3A_172 = tpu.memref_slice %arg8[%dma_start3A_170, %dma_start3A_171] : memref<64x128xf32, #tpu.memory_space<vmem>> -> memref<8x128xf32, #tpu.memory_space<vmem>>
      tpu.enqueue_dma source(%dma_start3A_172 : memref<8x128xf32, #tpu.memory_space<vmem>>) target(%dma_start3A_169 : memref<8x128xf32, #tpu.memory_space<hbm>>) target_semaphore(%arg12 : memref<!tpu.dma_semaphore, #tpu.memory_space<semaphore_mem>>)
      %dma_start3A_173 = arith.constant 48 : i32
      %dma_start3A_174 = arith.constant 0 : i32
      %dma_start3A_175 = tpu.memref_slice %arg8[%dma_start3A_173, %dma_start3A_174] : memref<64x128xf32, #tpu.memory_space<vmem>> -> memref<8x128xf32, #tpu.memory_space<vmem>>
      %dma_start3A_176 = arith.constant 48 : i32
      %dma_start3A_177 = tpu.memref_slice %arg4[%select_n3A, %dma_start3A_176, %mul3A_100] : memref<50x64x16384xf32, #tpu.memory_space<hbm>> -> memref<1x8x128xf32, #tpu.memory_space<hbm>>
      %dma_start3A_178 = tpu.memref_squeeze %dma_start3A_177 : memref<1x8x128xf32, #tpu.memory_space<hbm>> -> memref<8x128xf32, #tpu.memory_space<hbm>>
      %dma_start3A_179 = arith.constant 48 : i32
      %dma_start3A_180 = tpu.memref_slice %arg4[%select_n3A, %dma_start3A_179, %mul3A_100] : memref<50x64x16384xf32, #tpu.memory_space<hbm>> -> memref<1x8x128xf32, #tpu.memory_space<hbm>>
      %dma_start3A_181 = tpu.memref_squeeze %dma_start3A_180 : memref<1x8x128xf32, #tpu.memory_space<hbm>> -> memref<8x128xf32, #tpu.memory_space<hbm>>
      %dma_start3A_182 = arith.constant 48 : i32
      %dma_start3A_183 = arith.constant 0 : i32
      %dma_start3A_184 = tpu.memref_slice %arg8[%dma_start3A_182, %dma_start3A_183] : memref<64x128xf32, #tpu.memory_space<vmem>> -> memref<8x128xf32, #tpu.memory_space<vmem>>
      tpu.enqueue_dma source(%dma_start3A_184 : memref<8x128xf32, #tpu.memory_space<vmem>>) target(%dma_start3A_181 : memref<8x128xf32, #tpu.memory_space<hbm>>) target_semaphore(%arg12 : memref<!tpu.dma_semaphore, #tpu.memory_space<semaphore_mem>>)
      %dma_start3A_185 = arith.constant 56 : i32
      %dma_start3A_186 = arith.constant 0 : i32
      %dma_start3A_187 = tpu.memref_slice %arg8[%dma_start3A_185, %dma_start3A_186] : memref<64x128xf32, #tpu.memory_space<vmem>> -> memref<8x128xf32, #tpu.memory_space<vmem>>
      %dma_start3A_188 = arith.constant 56 : i32
      %dma_start3A_189 = tpu.memref_slice %arg4[%select_n3A, %dma_start3A_188, %mul3A_100] : memref<50x64x16384xf32, #tpu.memory_space<hbm>> -> memref<1x8x128xf32, #tpu.memory_space<hbm>>
      %dma_start3A_190 = tpu.memref_squeeze %dma_start3A_189 : memref<1x8x128xf32, #tpu.memory_space<hbm>> -> memref<8x128xf32, #tpu.memory_space<hbm>>
      %dma_start3A_191 = arith.constant 56 : i32
      %dma_start3A_192 = tpu.memref_slice %arg4[%select_n3A, %dma_start3A_191, %mul3A_100] : memref<50x64x16384xf32, #tpu.memory_space<hbm>> -> memref<1x8x128xf32, #tpu.memory_space<hbm>>
      %dma_start3A_193 = tpu.memref_squeeze %dma_start3A_192 : memref<1x8x128xf32, #tpu.memory_space<hbm>> -> memref<8x128xf32, #tpu.memory_space<hbm>>
      %dma_start3A_194 = arith.constant 56 : i32
      %dma_start3A_195 = arith.constant 0 : i32
      %dma_start3A_196 = tpu.memref_slice %arg8[%dma_start3A_194, %dma_start3A_195] : memref<64x128xf32, #tpu.memory_space<vmem>> -> memref<8x128xf32, #tpu.memory_space<vmem>>
      tpu.enqueue_dma source(%dma_start3A_196 : memref<8x128xf32, #tpu.memory_space<vmem>>) target(%dma_start3A_193 : memref<8x128xf32, #tpu.memory_space<hbm>>) target_semaphore(%arg12 : memref<!tpu.dma_semaphore, #tpu.memory_space<semaphore_mem>>)
      %lt3A_197 = arith.constant 99 : i32
      %lt3A_198 = arith.cmpi slt, %scan3A_31, %lt3A_197 : i32
      %convert_element_type3A_199 = arith.extui %lt3A_198 : i1 to i32
      %cond3A_200 = arith.constant 0 : i32
      %cond3A_201 = arith.cmpi ne, %convert_element_type3A_199, %cond3A_200 : i32
      scf.if %cond3A_201 {
        %add3A_371 = arith.constant 2 : i32
        %add3A_372 = arith.addi %mul3A_33, %add3A_371 : i32
        %dma_start3A_373 = arith.constant 0 : i32
        %dma_start3A_374 = tpu.memref_slice %arg5[%add3A_372, %dma_start3A_373] : memref<200x128xi32, #tpu.memory_space<vmem>> -> memref<1x128xi32, #tpu.memory_space<vmem>>
        %dma_start3A_375 = tpu.memref_squeeze %dma_start3A_374 : memref<1x128xi32, #tpu.memory_space<vmem>> -> memref<128xi32, #tpu.memory_space<vmem>>
        %dma_start3A_376 = arith.constant 0 : i32
        %dma_start3A_377 = arith.constant 0 : i32
        %dma_start3A_378 = tpu.memref_slice %arg3[%dma_start3A_376, %dma_start3A_377] : memref<1000000x128xf32, #tpu.memory_space<hbm>> -> memref<1000000x128xf32, #tpu.memory_space<hbm>>
        tpu.enqueue_indirect_dma source(%dma_start3A_378 : memref<1000000x128xf32, #tpu.memory_space<hbm>>) target(%arg6 : memref<128x128xf32, #tpu.memory_space<vmem>>) offsets(%dma_start3A_375 : memref<128xi32, #tpu.memory_space<vmem>>) semaphore(%arg10 : memref<!tpu.dma_semaphore, #tpu.memory_space<semaphore_mem>>)
      } else {
      }
      %dma_wait3A_202 = arith.constant 0 : i32
      %dma_wait3A_203 = arith.constant 0 : i32
      %dma_wait3A_204 = tpu.memref_slice %arg3[%dma_wait3A_202, %dma_wait3A_203] : memref<1000000x128xf32, #tpu.memory_space<hbm>> -> memref<128x128xf32, #tpu.memory_space<hbm>>
      %dma_wait3A_205 = arith.constant 0 : i32
      %dma_wait3A_206 = arith.constant 0 : i32
      %dma_wait3A_207 = tpu.memref_slice %arg3[%dma_wait3A_205, %dma_wait3A_206] : memref<1000000x128xf32, #tpu.memory_space<hbm>> -> memref<128x128xf32, #tpu.memory_space<hbm>>
      tpu.wait_dma2 semaphore(%arg11 : memref<!tpu.dma_semaphore, #tpu.memory_space<semaphore_mem>>) src(%dma_wait3A_207 : memref<128x128xf32, #tpu.memory_space<hbm>>) dst(%arg7 : memref<128x128xf32, #tpu.memory_space<vmem>>)
      %gt3A_208 = arith.constant 0 : i32
      %gt3A_209 = arith.cmpi sgt, %scan3A_31, %gt3A_208 : i32
      %convert_element_type3A_210 = arith.extui %gt3A_209 : i1 to i32
      %cond3A_211 = arith.constant 0 : i32
      %cond3A_212 = arith.cmpi ne, %convert_element_type3A_210, %cond3A_211 : i32
      scf.if %cond3A_212 {
        %dma_wait3A_371 = arith.constant 0 : i32
        %dma_wait3A_372 = arith.constant 0 : i32
        %dma_wait3A_373 = arith.constant 0 : i32
        %dma_wait3A_374 = tpu.memref_slice %arg4[%dma_wait3A_371, %dma_wait3A_372, %dma_wait3A_373] : memref<50x64x16384xf32, #tpu.memory_space<hbm>> -> memref<1x64x128xf32, #tpu.memory_space<hbm>>
        %dma_wait3A_375 = tpu.memref_squeeze %dma_wait3A_374 : memref<1x64x128xf32, #tpu.memory_space<hbm>> -> memref<64x128xf32, #tpu.memory_space<hbm>>
        %dma_wait3A_376 = arith.constant 0 : i32
        %dma_wait3A_377 = arith.constant 0 : i32
        %dma_wait3A_378 = tpu.memref_slice %arg4[%dma_wait3A_371, %dma_wait3A_376, %dma_wait3A_377] : memref<50x64x16384xf32, #tpu.memory_space<hbm>> -> memref<1x64x128xf32, #tpu.memory_space<hbm>>
        %dma_wait3A_379 = tpu.memref_squeeze %dma_wait3A_378 : memref<1x64x128xf32, #tpu.memory_space<hbm>> -> memref<64x128xf32, #tpu.memory_space<hbm>>
        tpu.wait_dma2 semaphore(%arg13 : memref<!tpu.dma_semaphore, #tpu.memory_space<semaphore_mem>>) src(%arg9 : memref<64x128xf32, #tpu.memory_space<vmem>>) dst(%dma_wait3A_379 : memref<64x128xf32, #tpu.memory_space<hbm>>)
      } else {
      }
      %iota3A_213 = tpu.iota {dimensions = array<i32: 0>} : vector<16xi32>
      %add3A_214 = arith.constant 0 : i32
      %add3A_215 = vector.broadcast %add3A_214 : i32 to vector<16xi32>
      %add3A_216 = arith.addi %iota3A_213, %add3A_215 : vector<16xi32>
      %add3A_217 = arith.constant 16 : i32
      %add3A_218 = vector.broadcast %add3A_217 : i32 to vector<16xi32>
      %add3A_219 = arith.addi %iota3A_213, %add3A_218 : vector<16xi32>
      %add3A_220 = arith.constant 32 : i32
      %add3A_221 = vector.broadcast %add3A_220 : i32 to vector<16xi32>
      %add3A_222 = arith.addi %iota3A_213, %add3A_221 : vector<16xi32>
      %add3A_223 = arith.constant 48 : i32
      %add3A_224 = vector.broadcast %add3A_223 : i32 to vector<16xi32>
      %add3A_225 = arith.addi %iota3A_213, %add3A_224 : vector<16xi32>
      %broadcast_in_dim3A_226 = arith.constant 0 : i32
      %broadcast_in_dim3A_227 = vector.broadcast %broadcast_in_dim3A_226 : i32 to vector<16xi32>
      %parallel_loop3A_228 = arith.constant 0 : i32
      %parallel_loop3A_229 = arith.constant 128 : i32
      %parallel_loop3A_230 = arith.constant 1 : i32
      %parallel_loop3A_231 = scf.for %parallel_loop3A_371 = %parallel_loop3A_228 to %parallel_loop3A_229 step %parallel_loop3A_230 iter_args(%parallel_loop3A_372 = %broadcast_in_dim3A_227) -> (vector<16xi32>)  : i32 {
        %parallel_loop3A_373 = arith.index_cast %parallel_loop3A_371 : i32 to index
        %parallel_loop3A_374 = arith.constant 0 : index
        %parallel_loop3A_375 = tpu.vector_load %arg7[%parallel_loop3A_373, %parallel_loop3A_374] {strides = array<i32>} : memref<128x128xf32, #tpu.memory_space<vmem>>, vector<16xf32>,
        tpu.vector_store_idx %arg9[%add3A_216, %parallel_loop3A_372], %parallel_loop3A_375 : memref<64x128xf32, #tpu.memory_space<vmem>>[vector<16xi32>, vector<16xi32>], vector<16xf32>,
        %parallel_loop3A_376 = arith.index_cast %parallel_loop3A_371 : i32 to index
        %parallel_loop3A_377 = arith.constant 16 : index
        %parallel_loop3A_378 = tpu.vector_load %arg7[%parallel_loop3A_376, %parallel_loop3A_377] {strides = array<i32>} : memref<128x128xf32, #tpu.memory_space<vmem>>, vector<16xf32>,
        tpu.vector_store_idx %arg9[%add3A_219, %parallel_loop3A_372], %parallel_loop3A_378 : memref<64x128xf32, #tpu.memory_space<vmem>>[vector<16xi32>, vector<16xi32>], vector<16xf32>,
        %parallel_loop3A_379 = arith.index_cast %parallel_loop3A_371 : i32 to index
        %parallel_loop3A_380 = arith.constant 32 : index
        %parallel_loop3A_381 = tpu.vector_load %arg7[%parallel_loop3A_379, %parallel_loop3A_380] {strides = array<i32>} : memref<128x128xf32, #tpu.memory_space<vmem>>, vector<16xf32>,
        tpu.vector_store_idx %arg9[%add3A_222, %parallel_loop3A_372], %parallel_loop3A_381 : memref<64x128xf32, #tpu.memory_space<vmem>>[vector<16xi32>, vector<16xi32>], vector<16xf32>,
        %parallel_loop3A_382 = arith.index_cast %parallel_loop3A_371 : i32 to index
        %parallel_loop3A_383 = arith.constant 48 : index
        %parallel_loop3A_384 = tpu.vector_load %arg7[%parallel_loop3A_382, %parallel_loop3A_383] {strides = array<i32>} : memref<128x128xf32, #tpu.memory_space<vmem>>, vector<16xf32>,
        tpu.vector_store_idx %arg9[%add3A_225, %parallel_loop3A_372], %parallel_loop3A_384 : memref<64x128xf32, #tpu.memory_space<vmem>>[vector<16xi32>, vector<16xi32>], vector<16xf32>,
        %parallel_loop3A_385 = arith.constant 1 : i32
        %parallel_loop3A_386 = vector.broadcast %parallel_loop3A_385 : i32 to vector<16xi32>
        %parallel_loop3A_387 = arith.addi %parallel_loop3A_372, %parallel_loop3A_386 : vector<16xi32>
        scf.yield %parallel_loop3A_387 : vector<16xi32>
      } {sc.loop_unroll_factor = 8 : i64, sc.parallel_access}
      %add3A_232 = arith.addi %mul3A_2, %add3A_37 : i32
      %jit3A_233 = arith.constant 128 : i32
      %div3A_234 = arith.divsi %add3A_232, %jit3A_233 : i32
      %sign3A_235 = arith.constant 0 : i32
      %sign3A_236 = arith.cmpi sgt, %add3A_232, %sign3A_235 : i32
      %sign3A_237 = arith.extui %sign3A_236 : i1 to i32
      %sign3A_238 = arith.constant 0 : i32
      %sign3A_239 = arith.cmpi slt, %add3A_232, %sign3A_238 : i32
      %sign3A_240 = arith.extui %sign3A_239 : i1 to i32
      %sign3A_241 = arith.subi %sign3A_237, %sign3A_240 : i32
      %sign3A_242 = arith.constant 0 : i32
      %sign3A_243 = arith.cmpi sgt, %jit3A_233, %sign3A_242 : i32
      %sign3A_244 = arith.extui %sign3A_243 : i1 to i32
      %sign3A_245 = arith.constant 0 : i32
      %sign3A_246 = arith.cmpi slt, %jit3A_233, %sign3A_245 : i32
      %sign3A_247 = arith.extui %sign3A_246 : i1 to i32
      %sign3A_248 = arith.subi %sign3A_244, %sign3A_247 : i32
      %ne3A_249 = arith.cmpi ne, %sign3A_241, %sign3A_248 : i32
      %rem3A_250 = arith.remsi %add3A_232, %jit3A_233 : i32
      %ne3A_251 = arith.constant 0 : i32
      %ne3A_252 = arith.cmpi ne, %rem3A_250, %ne3A_251 : i32
      %and3A_253 = arith.andi %ne3A_249, %ne3A_252 : i1
      %sub3A_254 = arith.constant 1 : i32
      %sub3A_255 = arith.subi %div3A_234, %sub3A_254 : i32
      %select_n3A_256 = arith.select %and3A_253, %sub3A_255, %div3A_234 : i32
      %jit3A_257 = arith.constant 128 : i32
      %eq3A_258 = arith.constant 0 : i32
      %eq3A_259 = arith.cmpi eq, %jit3A_257, %eq3A_258 : i32
      %jit3A_260 = arith.constant 1 : i32
      %select_n3A_261 = arith.select %eq3A_259, %jit3A_260, %jit3A_257 : i32
      %rem3A_262 = arith.remsi %add3A_232, %select_n3A_261 : i32
      %ne3A_263 = arith.constant 0 : i32
      %ne3A_264 = arith.cmpi ne, %rem3A_262, %ne3A_263 : i32
      %lt3A_265 = arith.constant 0 : i32
      %lt3A_266 = arith.cmpi slt, %rem3A_262, %lt3A_265 : i32
      %lt3A_267 = arith.constant 0 : i32
      %lt3A_268 = arith.cmpi slt, %select_n3A_261, %lt3A_267 : i32
      %ne3A_269 = arith.xori %lt3A_266, %lt3A_268 : i1
      %and3A_270 = arith.andi %ne3A_269, %ne3A_264 : i1
      %add3A_271 = arith.addi %rem3A_262, %select_n3A_261 : i32
      %select_n3A_272 = arith.select %and3A_270, %add3A_271, %rem3A_262 : i32
      %mul3A_273 = arith.constant 128 : i32
      %mul3A_274 = arith.muli %select_n3A_272, %mul3A_273 : i32
      %dma_start3A_275 = arith.constant 0 : i32
      %dma_start3A_276 = arith.constant 0 : i32
      %dma_start3A_277 = tpu.memref_slice %arg9[%dma_start3A_275, %dma_start3A_276] : memref<64x128xf32, #tpu.memory_space<vmem>> -> memref<8x128xf32, #tpu.memory_space<vmem>>
      %dma_start3A_278 = arith.constant 0 : i32
      %dma_start3A_279 = tpu.memref_slice %arg4[%select_n3A_256, %dma_start3A_278, %mul3A_274] : memref<50x64x16384xf32, #tpu.memory_space<hbm>> -> memref<1x8x128xf32, #tpu.memory_space<hbm>>
      %dma_start3A_280 = tpu.memref_squeeze %dma_start3A_279 : memref<1x8x128xf32, #tpu.memory_space<hbm>> -> memref<8x128xf32, #tpu.memory_space<hbm>>
      %dma_start3A_281 = arith.constant 0 : i32
      %dma_start3A_282 = tpu.memref_slice %arg4[%select_n3A_256, %dma_start3A_281, %mul3A_274] : memref<50x64x16384xf32, #tpu.memory_space<hbm>> -> memref<1x8x128xf32, #tpu.memory_space<hbm>>
      %dma_start3A_283 = tpu.memref_squeeze %dma_start3A_282 : memref<1x8x128xf32, #tpu.memory_space<hbm>> -> memref<8x128xf32, #tpu.memory_space<hbm>>
      %dma_start3A_284 = arith.constant 0 : i32
      %dma_start3A_285 = arith.constant 0 : i32
      %dma_start3A_286 = tpu.memref_slice %arg9[%dma_start3A_284, %dma_start3A_285] : memref<64x128xf32, #tpu.memory_space<vmem>> -> memref<8x128xf32, #tpu.memory_space<vmem>>
      tpu.enqueue_dma source(%dma_start3A_286 : memref<8x128xf32, #tpu.memory_space<vmem>>) target(%dma_start3A_283 : memref<8x128xf32, #tpu.memory_space<hbm>>) target_semaphore(%arg13 : memref<!tpu.dma_semaphore, #tpu.memory_space<semaphore_mem>>)
      %dma_start3A_287 = arith.constant 8 : i32
      %dma_start3A_288 = arith.constant 0 : i32
      %dma_start3A_289 = tpu.memref_slice %arg9[%dma_start3A_287, %dma_start3A_288] : memref<64x128xf32, #tpu.memory_space<vmem>> -> memref<8x128xf32, #tpu.memory_space<vmem>>
      %dma_start3A_290 = arith.constant 8 : i32
      %dma_start3A_291 = tpu.memref_slice %arg4[%select_n3A_256, %dma_start3A_290, %mul3A_274] : memref<50x64x16384xf32, #tpu.memory_space<hbm>> -> memref<1x8x128xf32, #tpu.memory_space<hbm>>
      %dma_start3A_292 = tpu.memref_squeeze %dma_start3A_291 : memref<1x8x128xf32, #tpu.memory_space<hbm>> -> memref<8x128xf32, #tpu.memory_space<hbm>>
      %dma_start3A_293 = arith.constant 8 : i32
      %dma_start3A_294 = tpu.memref_slice %arg4[%select_n3A_256, %dma_start3A_293, %mul3A_274] : memref<50x64x16384xf32, #tpu.memory_space<hbm>> -> memref<1x8x128xf32, #tpu.memory_space<hbm>>
      %dma_start3A_295 = tpu.memref_squeeze %dma_start3A_294 : memref<1x8x128xf32, #tpu.memory_space<hbm>> -> memref<8x128xf32, #tpu.memory_space<hbm>>
      %dma_start3A_296 = arith.constant 8 : i32
      %dma_start3A_297 = arith.constant 0 : i32
      %dma_start3A_298 = tpu.memref_slice %arg9[%dma_start3A_296, %dma_start3A_297] : memref<64x128xf32, #tpu.memory_space<vmem>> -> memref<8x128xf32, #tpu.memory_space<vmem>>
      tpu.enqueue_dma source(%dma_start3A_298 : memref<8x128xf32, #tpu.memory_space<vmem>>) target(%dma_start3A_295 : memref<8x128xf32, #tpu.memory_space<hbm>>) target_semaphore(%arg13 : memref<!tpu.dma_semaphore, #tpu.memory_space<semaphore_mem>>)
      %dma_start3A_299 = arith.constant 16 : i32
      %dma_start3A_300 = arith.constant 0 : i32
      %dma_start3A_301 = tpu.memref_slice %arg9[%dma_start3A_299, %dma_start3A_300] : memref<64x128xf32, #tpu.memory_space<vmem>> -> memref<8x128xf32, #tpu.memory_space<vmem>>
      %dma_start3A_302 = arith.constant 16 : i32
      %dma_start3A_303 = tpu.memref_slice %arg4[%select_n3A_256, %dma_start3A_302, %mul3A_274] : memref<50x64x16384xf32, #tpu.memory_space<hbm>> -> memref<1x8x128xf32, #tpu.memory_space<hbm>>
      %dma_start3A_304 = tpu.memref_squeeze %dma_start3A_303 : memref<1x8x128xf32, #tpu.memory_space<hbm>> -> memref<8x128xf32, #tpu.memory_space<hbm>>
      %dma_start3A_305 = arith.constant 16 : i32
      %dma_start3A_306 = tpu.memref_slice %arg4[%select_n3A_256, %dma_start3A_305, %mul3A_274] : memref<50x64x16384xf32, #tpu.memory_space<hbm>> -> memref<1x8x128xf32, #tpu.memory_space<hbm>>
      %dma_start3A_307 = tpu.memref_squeeze %dma_start3A_306 : memref<1x8x128xf32, #tpu.memory_space<hbm>> -> memref<8x128xf32, #tpu.memory_space<hbm>>
      %dma_start3A_308 = arith.constant 16 : i32
      %dma_start3A_309 = arith.constant 0 : i32
      %dma_start3A_310 = tpu.memref_slice %arg9[%dma_start3A_308, %dma_start3A_309] : memref<64x128xf32, #tpu.memory_space<vmem>> -> memref<8x128xf32, #tpu.memory_space<vmem>>
      tpu.enqueue_dma source(%dma_start3A_310 : memref<8x128xf32, #tpu.memory_space<vmem>>) target(%dma_start3A_307 : memref<8x128xf32, #tpu.memory_space<hbm>>) target_semaphore(%arg13 : memref<!tpu.dma_semaphore, #tpu.memory_space<semaphore_mem>>)
      %dma_start3A_311 = arith.constant 24 : i32
      %dma_start3A_312 = arith.constant 0 : i32
      %dma_start3A_313 = tpu.memref_slice %arg9[%dma_start3A_311, %dma_start3A_312] : memref<64x128xf32, #tpu.memory_space<vmem>> -> memref<8x128xf32, #tpu.memory_space<vmem>>
      %dma_start3A_314 = arith.constant 24 : i32
      %dma_start3A_315 = tpu.memref_slice %arg4[%select_n3A_256, %dma_start3A_314, %mul3A_274] : memref<50x64x16384xf32, #tpu.memory_space<hbm>> -> memref<1x8x128xf32, #tpu.memory_space<hbm>>
      %dma_start3A_316 = tpu.memref_squeeze %dma_start3A_315 : memref<1x8x128xf32, #tpu.memory_space<hbm>> -> memref<8x128xf32, #tpu.memory_space<hbm>>
      %dma_start3A_317 = arith.constant 24 : i32
      %dma_start3A_318 = tpu.memref_slice %arg4[%select_n3A_256, %dma_start3A_317, %mul3A_274] : memref<50x64x16384xf32, #tpu.memory_space<hbm>> -> memref<1x8x128xf32, #tpu.memory_space<hbm>>
      %dma_start3A_319 = tpu.memref_squeeze %dma_start3A_318 : memref<1x8x128xf32, #tpu.memory_space<hbm>> -> memref<8x128xf32, #tpu.memory_space<hbm>>
      %dma_start3A_320 = arith.constant 24 : i32
      %dma_start3A_321 = arith.constant 0 : i32
      %dma_start3A_322 = tpu.memref_slice %arg9[%dma_start3A_320, %dma_start3A_321] : memref<64x128xf32, #tpu.memory_space<vmem>> -> memref<8x128xf32, #tpu.memory_space<vmem>>
      tpu.enqueue_dma source(%dma_start3A_322 : memref<8x128xf32, #tpu.memory_space<vmem>>) target(%dma_start3A_319 : memref<8x128xf32, #tpu.memory_space<hbm>>) target_semaphore(%arg13 : memref<!tpu.dma_semaphore, #tpu.memory_space<semaphore_mem>>)
      %dma_start3A_323 = arith.constant 32 : i32
      %dma_start3A_324 = arith.constant 0 : i32
      %dma_start3A_325 = tpu.memref_slice %arg9[%dma_start3A_323, %dma_start3A_324] : memref<64x128xf32, #tpu.memory_space<vmem>> -> memref<8x128xf32, #tpu.memory_space<vmem>>
      %dma_start3A_326 = arith.constant 32 : i32
      %dma_start3A_327 = tpu.memref_slice %arg4[%select_n3A_256, %dma_start3A_326, %mul3A_274] : memref<50x64x16384xf32, #tpu.memory_space<hbm>> -> memref<1x8x128xf32, #tpu.memory_space<hbm>>
      %dma_start3A_328 = tpu.memref_squeeze %dma_start3A_327 : memref<1x8x128xf32, #tpu.memory_space<hbm>> -> memref<8x128xf32, #tpu.memory_space<hbm>>
      %dma_start3A_329 = arith.constant 32 : i32
      %dma_start3A_330 = tpu.memref_slice %arg4[%select_n3A_256, %dma_start3A_329, %mul3A_274] : memref<50x64x16384xf32, #tpu.memory_space<hbm>> -> memref<1x8x128xf32, #tpu.memory_space<hbm>>
      %dma_start3A_331 = tpu.memref_squeeze %dma_start3A_330 : memref<1x8x128xf32, #tpu.memory_space<hbm>> -> memref<8x128xf32, #tpu.memory_space<hbm>>
      %dma_start3A_332 = arith.constant 32 : i32
      %dma_start3A_333 = arith.constant 0 : i32
      %dma_start3A_334 = tpu.memref_slice %arg9[%dma_start3A_332, %dma_start3A_333] : memref<64x128xf32, #tpu.memory_space<vmem>> -> memref<8x128xf32, #tpu.memory_space<vmem>>
      tpu.enqueue_dma source(%dma_start3A_334 : memref<8x128xf32, #tpu.memory_space<vmem>>) target(%dma_start3A_331 : memref<8x128xf32, #tpu.memory_space<hbm>>) target_semaphore(%arg13 : memref<!tpu.dma_semaphore, #tpu.memory_space<semaphore_mem>>)
      %dma_start3A_335 = arith.constant 40 : i32
      %dma_start3A_336 = arith.constant 0 : i32
      %dma_start3A_337 = tpu.memref_slice %arg9[%dma_start3A_335, %dma_start3A_336] : memref<64x128xf32, #tpu.memory_space<vmem>> -> memref<8x128xf32, #tpu.memory_space<vmem>>
      %dma_start3A_338 = arith.constant 40 : i32
      %dma_start3A_339 = tpu.memref_slice %arg4[%select_n3A_256, %dma_start3A_338, %mul3A_274] : memref<50x64x16384xf32, #tpu.memory_space<hbm>> -> memref<1x8x128xf32, #tpu.memory_space<hbm>>
      %dma_start3A_340 = tpu.memref_squeeze %dma_start3A_339 : memref<1x8x128xf32, #tpu.memory_space<hbm>> -> memref<8x128xf32, #tpu.memory_space<hbm>>
      %dma_start3A_341 = arith.constant 40 : i32
      %dma_start3A_342 = tpu.memref_slice %arg4[%select_n3A_256, %dma_start3A_341, %mul3A_274] : memref<50x64x16384xf32, #tpu.memory_space<hbm>> -> memref<1x8x128xf32, #tpu.memory_space<hbm>>
      %dma_start3A_343 = tpu.memref_squeeze %dma_start3A_342 : memref<1x8x128xf32, #tpu.memory_space<hbm>> -> memref<8x128xf32, #tpu.memory_space<hbm>>
      %dma_start3A_344 = arith.constant 40 : i32
      %dma_start3A_345 = arith.constant 0 : i32
      %dma_start3A_346 = tpu.memref_slice %arg9[%dma_start3A_344, %dma_start3A_345] : memref<64x128xf32, #tpu.memory_space<vmem>> -> memref<8x128xf32, #tpu.memory_space<vmem>>
      tpu.enqueue_dma source(%dma_start3A_346 : memref<8x128xf32, #tpu.memory_space<vmem>>) target(%dma_start3A_343 : memref<8x128xf32, #tpu.memory_space<hbm>>) target_semaphore(%arg13 : memref<!tpu.dma_semaphore, #tpu.memory_space<semaphore_mem>>)
      %dma_start3A_347 = arith.constant 48 : i32
      %dma_start3A_348 = arith.constant 0 : i32
      %dma_start3A_349 = tpu.memref_slice %arg9[%dma_start3A_347, %dma_start3A_348] : memref<64x128xf32, #tpu.memory_space<vmem>> -> memref<8x128xf32, #tpu.memory_space<vmem>>
      %dma_start3A_350 = arith.constant 48 : i32
      %dma_start3A_351 = tpu.memref_slice %arg4[%select_n3A_256, %dma_start3A_350, %mul3A_274] : memref<50x64x16384xf32, #tpu.memory_space<hbm>> -> memref<1x8x128xf32, #tpu.memory_space<hbm>>
      %dma_start3A_352 = tpu.memref_squeeze %dma_start3A_351 : memref<1x8x128xf32, #tpu.memory_space<hbm>> -> memref<8x128xf32, #tpu.memory_space<hbm>>
      %dma_start3A_353 = arith.constant 48 : i32
      %dma_start3A_354 = tpu.memref_slice %arg4[%select_n3A_256, %dma_start3A_353, %mul3A_274] : memref<50x64x16384xf32, #tpu.memory_space<hbm>> -> memref<1x8x128xf32, #tpu.memory_space<hbm>>
      %dma_start3A_355 = tpu.memref_squeeze %dma_start3A_354 : memref<1x8x128xf32, #tpu.memory_space<hbm>> -> memref<8x128xf32, #tpu.memory_space<hbm>>
      %dma_start3A_356 = arith.constant 48 : i32
      %dma_start3A_357 = arith.constant 0 : i32
      %dma_start3A_358 = tpu.memref_slice %arg9[%dma_start3A_356, %dma_start3A_357] : memref<64x128xf32, #tpu.memory_space<vmem>> -> memref<8x128xf32, #tpu.memory_space<vmem>>
      tpu.enqueue_dma source(%dma_start3A_358 : memref<8x128xf32, #tpu.memory_space<vmem>>) target(%dma_start3A_355 : memref<8x128xf32, #tpu.memory_space<hbm>>) target_semaphore(%arg13 : memref<!tpu.dma_semaphore, #tpu.memory_space<semaphore_mem>>)
      %dma_start3A_359 = arith.constant 56 : i32
      %dma_start3A_360 = arith.constant 0 : i32
      %dma_start3A_361 = tpu.memref_slice %arg9[%dma_start3A_359, %dma_start3A_360] : memref<64x128xf32, #tpu.memory_space<vmem>> -> memref<8x128xf32, #tpu.memory_space<vmem>>
      %dma_start3A_362 = arith.constant 56 : i32
      %dma_start3A_363 = tpu.memref_slice %arg4[%select_n3A_256, %dma_start3A_362, %mul3A_274] : memref<50x64x16384xf32, #tpu.memory_space<hbm>> -> memref<1x8x128xf32, #tpu.memory_space<hbm>>
      %dma_start3A_364 = tpu.memref_squeeze %dma_start3A_363 : memref<1x8x128xf32, #tpu.memory_space<hbm>> -> memref<8x128xf32, #tpu.memory_space<hbm>>
      %dma_start3A_365 = arith.constant 56 : i32
      %dma_start3A_366 = tpu.memref_slice %arg4[%select_n3A_256, %dma_start3A_365, %mul3A_274] : memref<50x64x16384xf32, #tpu.memory_space<hbm>> -> memref<1x8x128xf32, #tpu.memory_space<hbm>>
      %dma_start3A_367 = tpu.memref_squeeze %dma_start3A_366 : memref<1x8x128xf32, #tpu.memory_space<hbm>> -> memref<8x128xf32, #tpu.memory_space<hbm>>
      %dma_start3A_368 = arith.constant 56 : i32
      %dma_start3A_369 = arith.constant 0 : i32
      %dma_start3A_370 = tpu.memref_slice %arg9[%dma_start3A_368, %dma_start3A_369] : memref<64x128xf32, #tpu.memory_space<vmem>> -> memref<8x128xf32, #tpu.memory_space<vmem>>
      tpu.enqueue_dma source(%dma_start3A_370 : memref<8x128xf32, #tpu.memory_space<vmem>>) target(%dma_start3A_367 : memref<8x128xf32, #tpu.memory_space<hbm>>) target_semaphore(%arg13 : memref<!tpu.dma_semaphore, #tpu.memory_space<semaphore_mem>>)
    }
    %scan3A_13 = arith.constant 100 : i32
    %dma_wait3A = arith.constant 0 : i32
    %dma_wait3A_14 = arith.constant 0 : i32
    %dma_wait3A_15 = arith.constant 0 : i32
    %dma_wait3A_16 = tpu.memref_slice %arg4[%dma_wait3A, %dma_wait3A_14, %dma_wait3A_15] : memref<50x64x16384xf32, #tpu.memory_space<hbm>> -> memref<1x64x128xf32, #tpu.memory_space<hbm>>
    %dma_wait3A_17 = tpu.memref_squeeze %dma_wait3A_16 : memref<1x64x128xf32, #tpu.memory_space<hbm>> -> memref<64x128xf32, #tpu.memory_space<hbm>>
    %dma_wait3A_18 = arith.constant 0 : i32
    %dma_wait3A_19 = arith.constant 0 : i32
    %dma_wait3A_20 = tpu.memref_slice %arg4[%dma_wait3A, %dma_wait3A_18, %dma_wait3A_19] : memref<50x64x16384xf32, #tpu.memory_space<hbm>> -> memref<1x64x128xf32, #tpu.memory_space<hbm>>
    %dma_wait3A_21 = tpu.memref_squeeze %dma_wait3A_20 : memref<1x64x128xf32, #tpu.memory_space<hbm>> -> memref<64x128xf32, #tpu.memory_space<hbm>>
    tpu.wait_dma2 semaphore(%arg12 : memref<!tpu.dma_semaphore, #tpu.memory_space<semaphore_mem>>) src(%arg8 : memref<64x128xf32, #tpu.memory_space<vmem>>) dst(%dma_wait3A_21 : memref<64x128xf32, #tpu.memory_space<hbm>>)
    %dma_wait3A_22 = arith.constant 0 : i32
    %dma_wait3A_23 = arith.constant 0 : i32
    %dma_wait3A_24 = arith.constant 0 : i32
    %dma_wait3A_25 = tpu.memref_slice %arg4[%dma_wait3A_22, %dma_wait3A_23, %dma_wait3A_24] : memref<50x64x16384xf32, #tpu.memory_space<hbm>> -> memref<1x64x128xf32, #tpu.memory_space<hbm>>
    %dma_wait3A_26 = tpu.memref_squeeze %dma_wait3A_25 : memref<1x64x128xf32, #tpu.memory_space<hbm>> -> memref<64x128xf32, #tpu.memory_space<hbm>>
    %dma_wait3A_27 = arith.constant 0 : i32
    %dma_wait3A_28 = arith.constant 0 : i32
    %dma_wait3A_29 = tpu.memref_slice %arg4[%dma_wait3A_22, %dma_wait3A_27, %dma_wait3A_28] : memref<50x64x16384xf32, #tpu.memory_space<hbm>> -> memref<1x64x128xf32, #tpu.memory_space<hbm>>
    %dma_wait3A_30 = tpu.memref_squeeze %dma_wait3A_29 : memref<1x64x128xf32, #tpu.memory_space<hbm>> -> memref<64x128xf32, #tpu.memory_space<hbm>>
    tpu.wait_dma2 semaphore(%arg13 : memref<!tpu.dma_semaphore, #tpu.memory_space<semaphore_mem>>) src(%arg9 : memref<64x128xf32, #tpu.memory_space<vmem>>) dst(%dma_wait3A_30 : memref<64x128xf32, #tpu.memory_space<hbm>>)
    return
  }
}

module attributes {stable_mosaic.version = 14 : i64} {
  func.func @_pack_body(%arg0: i32, %arg1: memref<64x16384xf32, #tpu.memory_space<vmem>>, %arg2: memref<16384x128xf32, #tpu.memory_space<vmem>>) attributes {dimension_semantics = [#tpu.dimension_semantics<arbitrary>], iteration_bounds = array<i64: 62>, scalar_prefetch = 0 : i64, scratch_operands = 0 : i64, tpu.core_type = #tpu.core_type<tc>, window_params = [{transform_indices = @transform_0, window_bounds = array<i64: 64, 16384>}, {transform_indices = @transform_1, window_bounds = array<i64: 16384, 128>}]} {
    %get3A = arith.constant 0 : index
    %get3A_0 = arith.constant 0 : index
    %get3A_1 = vector.load %arg1[%get3A, %get3A_0] : memref<64x16384xf32, #tpu.memory_space<vmem>>, vector<64x16384xf32>
    %transpose3A = tpu.transpose %get3A_1, [1, 0] : vector<64x16384xf32> -> vector<16384x64xf32>
    %concatenate3A = tpu.concatenate %transpose3A, %transpose3A in 1 : vector<16384x64xf32>, vector<16384x64xf32> -> vector<16384x128xf32>
    %swap3A = arith.constant 0 : index
    %swap3A_2 = arith.constant 0 : index
    %swap3A_3 = vector.load %arg2[%swap3A, %swap3A_2] : memref<16384x128xf32, #tpu.memory_space<vmem>>, vector<16384x128xf32>
    tpu.vector_store %arg2[%swap3A, %swap3A_2], %concatenate3A {strides = array<i32>} : memref<16384x128xf32, #tpu.memory_space<vmem>>, vector<16384x128xf32>,
    return
  }
  func.func @transform_0(%arg0: i32) -> (i32, i32) {
    %c0_i32 = arith.constant 0 : i32
    %c0_i32_0 = arith.constant 0 : i32
    return %c0_i32, %arg0 : i32, i32
  }
  func.func @transform_1(%arg0: i32) -> (i32, i32) {
    %c0_i32 = arith.constant 0 : i32
    %c0_i32_0 = arith.constant 0 : i32
    return %arg0, %c0_i32 : i32, i32
  }
}

</mosaic_0001>

<sc_bundles>
// kernel: kernel.4.cloned.1.call-start
scs
__scs_entry_jumppad:
0x0: {  	(pc) =	sbr.rel $0x88, $3  }
0x1: {  	(tag) =	ssettag $0x0;
	lr =	simm.s32 $0x1  }
0x2: {  	[smem:$0x3F9F] =	sst lr;
	_ =	strace $0xD0000000  }
0x3: {  	_ = 	snop  }
0x4: {  	_ = 	snop  }
0x5: {  	_ = 	snop  }
0x6: {  	_ = 	snop  }
0x7: {  	_ = 	snop  }
__scs_overlays_trampoline_lowered:
0x8: {  	[smem:$0x3FAE] =	sst s0  }
0x9: {  	[smem:$0x3FAF] =	sst s1  }
0xa: {  	[smem:$0x3FB0] =	sst s2  }
0xb: {  	[smem:$0x3FB1] =	sst s3  }
0xc: {  	[smem:$0x3FB2] =	sst s4  }
0xd: {  	[smem:$0x3FB3] =	sst s5  }
0xe: {  	[smem:$0x3FB4] =	sst s6  }
0xf: {  	[smem:$0x3FB5] =	sst s7  }
0x10: {  	[smem:$0x3FB6] =	sst s8  }
0x11: {  	[smem:$0x3FB7] =	sst s9;
	s0 =	simm.s32 @!p0 $0x0  }
0x12: {  	s1 =	sld [smem:$0x3F9D];
	s0 =	simm.s32 @p0 $0x1  }
0x13: {  	[smem:$0x3FB8] =	sst s0;
	s0 =	simm.s32 @!p1 $0x0  }
0x14: {  	s2 =	sld [smem:$0x3F9C];
	s0 =	simm.s32 @p1 $0x1  }
0x15: {  	[smem:$0x3FB9] =	sst s0;
	s0 =	simm.s32 @!p2 $0x0  }
0x16: {  	s3 =	sld [smem:$0x3FDB];
	s0 =	simm.s32 @p2 $0x1  }
0x17: {  	s4 =	simm.s32 $0x1BF5;
	[smem:$0x3FBB] =	sst s0  }
0x18: {  	s0 =	sld [smem:$0x3F9E];
	_ =	swait.ge [sflag:s4], $0x0  }
0x19: {  	s7 =	sld [smem:$0x3F9F]  }
0x1a: {  	s8 =	sadd.s32 $0xFFFFE003, lr  }
0x1b: {  	s9 =	sadd.s32 $0xFFFFFEF7, lr;
	s5 =	simm.s32 $0xFFFFFFFF;
	p2 =	slt.u32 s8, $0xFFFFF086  }
0x1c: {  	p1 =	slt.u32 s9, $0xF7A;
	s5 =	simm.s32 @!p2 $0x0  }
0x1d: {  	s5 =	simm.s32 @p1 $0x1;
	p0 =	seq.s32 s7, s2  }
0x1e: {  	s7 =	smul.u32 @!p0 $0xF7A, s2;
	p2 =	seq.s32 @!p0 s5, $0x0  }
0x1f: {  	s9 =	smul.u32 $0xF7A, s1;
	s8 =	simm.s32 @!p0 $0x1BF5;
	p2 =	por !p2, p0  }
0x20: {  	[sflag:s8] =	ssyncset.s32 @!p0 $0xFFFFF086;
	s6 =	sadd.s32 @!p0 s3, s7;
	s7 =	simm.s32 @!p0 $0x108  }
0x21: {  	s3 =	sadd.s32 s3, s9;
	s6 =	sadd.s32 @!p0 $0x88, s6;
	s7 =	simm.s32 @p2 $0x1082  }
0x22: {  	[simem:s7], [sflag:s8] =	dma.local @!p0 [hbm:s6], $0xF7A  }
0x23: {  	s9 =	sor.u32 $0xD0000000, s2;
	s6 =	simm.s32 $0x108;
	_ =	swait.ge @!p0 [sflag:s8], $0x0  }
0x24: {  	s3 =	sadd.s32 $0x88, s3;
	s6 =	simm.s32 @!p1 $0x1082;
	[sflag:s4] =	ssyncset.s32 $0xFFFFF086  }
0x25: {  	[simem:s6], [sflag:s4] =	dma.local [hbm:s3], $0xF7A  }
0x26: {  	[smem:$0x3F9F] =	sst s1;
	(tag) =	ssettag s2;
	_ =	strace s9  }
0x27: {  	s1 =	sld [smem:$0x3FAF]  }
0x28: {  	s2 =	sld [smem:$0x3FB0]  }
0x29: {  	s4 =	sld [smem:$0x3FB2]  }
0x2a: {  	p0 =	seq.s32 s5, $0x0;
	s5 =	sld [smem:$0x3FB3]  }
0x2b: {  	s6 =	sld [smem:$0x3FB4]  }
0x2c: {  	s7 =	sld [smem:$0x3FB5]  }
0x2d: {  	s3 =	simm.s32 $0x108;
	s8 =	sld [smem:$0x3FB6]  }
0x2e: {  	s3 =	simm.s32 @!p0 $0x1082;
	s9 =	sld [smem:$0x3FB7]  }
0x2f: {  	lr =	sadd.s32 s0, s3;
	s0 =	sld [smem:$0x3FAE]  }
0x30: {  	s3 =	sld [smem:$0x3FB1]  }
0x31: {  	[smem:$0x3FBA] =	sst s10  }
0x32: {  	s10 =	sld [smem:$0x3FB8];
	_ =	sdelay $0x3  }
0x33: {  	p0 =	seq.s32 s10, $0x1;
	s10 =	sld [smem:$0x3FBA];
	_ =	sdelay $0x3  }
0x34: {  	[smem:$0x3FBA] =	sst s10  }
0x35: {  	s10 =	sld [smem:$0x3FB9];
	_ =	sdelay $0x3  }
0x36: {  	p1 =	seq.s32 s10, $0x1;
	s10 =	sld [smem:$0x3FBA];
	_ =	sdelay $0x3  }
0x37: {  	[smem:$0x3FBA] =	sst s10  }
0x38: {  	s10 =	sld [smem:$0x3FBB]  }
0x39: {  	_ = 	snop;
	(pc) =	sbr.ind lr, $3  }
0x3a: {  	_ = 	snop  }
0x3b: {  	_ = 	snop  }
0x3c: {  	p2 =	seq.s32 s10, $0x1;
	s10 =	sld [smem:$0x3FBA]  }
0x3d: {  	_ =	shalt  }
0x3e: {  	_ =	shalt  }
0x3f: {  	_ =	shalt  }
0x40: {  	_ =	shalt  }
0x41: {  	_ =	shalt  }
0x42: {  	_ =	shalt  }
0x43: {  	_ =	shalt  }
0x44: {  	_ =	shalt  }
0x45: {  	_ =	shalt  }
0x46: {  	_ =	shalt  }
0x47: {  	_ =	shalt  }
0x48: {  	_ =	shalt  }
0x49: {  	_ =	shalt  }
0x4a: {  	_ =	shalt  }
0x4b: {  	_ =	shalt  }
0x4c: {  	_ =	shalt  }
0x4d: {  	_ =	shalt  }
0x4e: {  	_ =	shalt  }
0x4f: {  	_ =	shalt  }
0x50: {  	_ =	shalt  }
0x51: {  	_ =	shalt  }
0x52: {  	_ =	shalt  }
0x53: {  	_ =	shalt  }
0x54: {  	_ =	shalt  }
0x55: {  	_ =	shalt  }
0x56: {  	_ =	shalt  }
0x57: {  	_ =	shalt  }
0x58: {  	_ =	shalt  }
0x59: {  	_ =	shalt  }
0x5a: {  	_ =	shalt  }
0x5b: {  	_ =	shalt  }
0x5c: {  	_ =	shalt  }
0x5d: {  	_ =	shalt  }
0x5e: {  	_ =	shalt  }
0x5f: {  	_ =	shalt  }
0x60: {  	_ =	shalt  }
0x61: {  	_ =	shalt  }
0x62: {  	_ =	shalt  }
0x63: {  	_ =	shalt  }
0x64: {  	_ =	shalt  }
0x65: {  	_ =	shalt  }
0x66: {  	_ =	shalt  }
0x67: {  	_ =	shalt  }
0x68: {  	_ =	shalt  }
0x69: {  	_ =	shalt  }
0x6a: {  	_ =	shalt  }
0x6b: {  	_ =	shalt  }
0x6c: {  	_ =	shalt  }
0x6d: {  	_ =	shalt  }
0x6e: {  	_ =	shalt  }
0x6f: {  	_ =	shalt  }
0x70: {  	_ =	shalt  }
0x71: {  	_ =	shalt  }
0x72: {  	_ =	shalt  }
0x73: {  	_ =	shalt  }
0x74: {  	_ =	shalt  }
0x75: {  	_ =	shalt  }
0x76: {  	_ =	shalt  }
0x77: {  	_ =	shalt  }
0x78: {  	_ =	shalt  }
0x79: {  	_ =	shalt  }
0x7a: {  	_ =	shalt  }
0x7b: {  	_ =	shalt  }
0x7c: {  	_ =	shalt  }
0x7d: {  	_ =	shalt  }
0x7e: {  	_ =	shalt  }
0x7f: {  	_ =	shalt  }
0x80: {  	_ =	shalt  }
0x81: {  	_ =	shalt  }
0x82: {  	_ =	shalt  }
0x83: {  	_ =	shalt  }
0x84: {  	_ =	shalt  }
0x85: {  	_ =	shalt  }
0x86: {  	_ =	shalt  }
0x87: {  	_ =	shalt  }
.Lfunc_end0:
.L_simem_size_0:
called_computation_lowered:
.L_overlay_start_0:
0x88: {  	s2 =	sld [smem:$0x3FD9]  }
0x89: {  	s3 =	sld [smem:$0x3FFE];
	_ =	sdelay $0x1  }
0x8a: {  	s1 =	srdreg.scid  }
0x8b: {  	s0 =	sand.u32 $0x1, s1  }
0x8c: {  	s17 =	sshll.u32 s0, $0xA;
	s2 =	sadd.s32 s3, s2  }
0x8d: {  	s2 =	sadd.s32 s2, s17  }
0x8e: {  	[smem:$0x3FC6] =	sst s2  }
0x8f: {  	_ = 	snop  }
0x90: {  	s2 =	sld [smem:$0x3FD0];
	(tm) =	ssettm $0x1  }
0x91: {  	s18 =	sld [smem:$0x3FFB];
	_ =	sdelay $0x3  }
0x92: {  	_ =	strace s18  }
0x93: {  	s3 =	sld [smem:$0x3FFC];
	_ =	sdelay $0x3  }
0x94: {  	_ =	strace s3  }
0x95: {  	s3 =	sld [smem:$0x3FFD];
	_ =	sdelay $0x3  }
0x96: {  	_ =	strace s3  }
0x97: {  	_ =	strace $0x8FFFFFFF  }
0x98: {  	s19 =	sld [smem:$0x3FDB];
	_ =	sdelay $0x1  }
0x99: {  	s4 =	simm.s32 $_scs_section_size  }
0x9a: {  	s5 =	simm.s32 $_size__tile_overlayer_lowered;
	s6 =	simm.s32 $_tile_overlayer_lowered  }
0x9b: {  	s22 =	simm.s32 $0x1BFF;
	s21 =	sshll.u32 s6, $0x1;
	s3 =	sadd.s32 s4, s19  }
0x9c: {  	s7 =	simm.s32 $0x0;
	s20 =	sshll.u32 s5, $0x1;
	s5 =	sadd.s32 s21, s3  }
0x9d: {  	[timem:s7], [sflag:s22] =	dma.local [hbm:s5], s20  }
0x9e: {  	_ =	swait.ge [sflag:s22], s20  }
0x9f: {  	s4 =	ssub.s32 $0x0, s20;
	[sflag:s22] =	ssyncset.done $0x0  }
0xa0: {  	[sflag:s22] =	ssyncadd.s32 s4;
	_ =	sdelay $0x1  }
0xa1: {  	s23 =	simm.s32 $0x1B8B  }
0xa2: {  	_ =	swait.ge [sflag:s23], $0x1  }
0xa3: {  	[sflag:s23] =	ssyncset.done $0x0  }
0xa4: {  	s25 =	simm.s32 $0x1B8E;
	s24 =	sld [smem:$0x3FFE];
	[sflag:s23] =	ssyncadd.s32 $0xFFFFFFFF  }
0xa5: {  	s26 =	simm.s32 $execute0_lowered;
	[smem:$0x3FD2] =	sst s25  }
0xa6: {  	s5 =	sshll.u32 s26, $0x1;
	_ =	strace $0x80000046;
	[dreg:$0x1] =	wrdreg $0xFFFFFFFF  }
0xa7: {  	s28 =	simm.s32 $_size_execute0_lowered;
	s3 =	sadd.s32 s3, s5;
	[dreg:$0x0] =	wrdreg $0x0  }
0xa8: {  	s5 =	sshll.u32 s28, $0x1;
	[dreg:$0x2] =	wrdreg s3  }
0xa9: {  	[dreg:$0x3] =	wrdreg s5  }
0xaa: {  	[dreg:$0x4] =	wrdreg $0xC0  }
0xab: {  	_ =	task [dreg:s7], $0x5FFFF  }
0xac: {  	[dreg:$0x1] =	wrdreg $0xFFFFFFFF  }
0xad: {  	[dreg:$0x0] =	wrdreg $0x60  }
0xae: {  	[dreg:$0x2] =	wrdreg s24  }
0xaf: {  	[dreg:$0x3] =	wrdreg s2  }
0xb0: {  	[dreg:$0x4] =	wrdreg $0x9  }
0xb1: {  	_ =	task.clear_ibuf [dreg:s7], $0x5FFFF;
	_ =	strace $0x90000046  }
0xb2: {  	s29 =	simm.s32 $0x9;
	_ =	strace $0x80000048  }
0xb3: {  	_ =	swait.ge [sflag:s29], $0x1  }
0xb4: {  	[sflag:s29] =	ssyncadd.s32 $0xFFFFFFFF  }
0xb5: {  	_ =	strace $0x90000048  }
0xb6: {  	_ =	sfence  }
0xb7: {  	s30 =	sld [smem:$0x0];
	_ =	sdelay $0x2  }
0xb8: {  	s31 =	sshll.u32 s1, $0xD;
	s1 =	sshrl.u32 s1, $0x2  }
0xb9: {  	s3 =	sand.u32 $0x4000, s31;
	s1 =	sadd.s32 s1, s30  }
0xba: {  	s0 =	sor.u32 s3, s0;
	s1 =	sshll.u32 s1, $0x11  }
0xbb: {  	s0 =	sor.u32 s1, s0  }
0xbc: {  	s0 =	sadd.s32 $0x8F2B, s0  }
0xbd: {  	[sflag:s0] =	ssyncadd.remote.s32 $0x1  }
0xbe: {  	_ =	sfence.sel $0xFFFF  }
0xbf: {  	[dreg:$0x0] =	wrdreg $0xFFFFFFFF;
	(pc) =	sbr.abs _section_cstart, $3  }
0xc0: {  	[dreg:$0x1] =	wrdreg $0xFFFFFFFF  }
0xc1: {  	_ =	task.clear_ibuf [dreg:s7], $0x2FFFF;
	_ =	strace $0x9FFFFFFF  }
0xc2: {  	(tm) =	ssettm $0x7FFFFFFF  }
0xc3: {  	_ =	shalt  }
tec
execute0_lowered:
.L_overlay_start_1:
0x0: {  	(tag) =	ssettag $0x1  }
0x1: {  	s0 =	rddreg [dreg:$0x0];
	s1 =	srdreg.scid  }
0x2: {  	s3 =	stileid.u32;
	s2 =	rddreg [dreg:$0x1]  }
0x3: {  	s16 =	simm.s32 $0x80;
	s19 =	simm.s32 $0x1;
	s20 =	simm.s32 $0xE400  }
0x4: {  	s28 =	simm.s32 $0x10000;
	s29 =	simm.s32 $0x2;
	s30 =	simm.s32 $0x4  }
0x5: {  	s31 =	simm.s32 $0x10400;
	s14 =	simm.s32 $0x11400;
	s15 =	simm.s32 $0x11800  }
0x6: {  	s17 =	simm.s32 $0x11C00;
	s18 =	simm.s32 $0x12000;
	s22 =	simm.s32 $0x0  }
0x7: {  	s1 =	sand.u32 $0x1, s1;
	s4 =	sshll.u32 s3, $0x1;
	s3 =	simm.s32 $0x0  }
0x8: {  	s7 =	sadd.s32 $0x4000, s2;
	s8 =	sadd.s32 $0x8000, s2;
	s9 =	sadd.s32 $0xC000, s2  }
0x9: {  	s10 =	sadd.s32 $0x10000, s2;
	s11 =	sadd.s32 $0x14000, s2;
	s5 =	sor.u32 s1, s4  }
0xa: {  	s12 =	sadd.s32 $0x18000, s2;
	[smem:$0x7FF] =	sst s3;
	s4 =	smul.u32 $0xC80, s5  }
0xb: {  	s13 =	sadd.s32 $0x1C000, s2;
	s1 =	ssub.s32 $0x2, s1;
	_ =	strace $0x80000047  }
0xc: {  	v0 =	vlaneseq.u32;
	s25 =	sshrl.u32 s1, $0x1;
	s5 =	smul.u32 $0xC8, s5;
	s6 =	sadd.s32 s4, s0  }
0xd: {  	v0 =	vmul.u32 $0x80, v0;
	s4 =	sadd.s32 $0x19400, s0;
	s0 =	ssub.s32 s1, s25;
	s26 =	sadd.s32 $0x400, s6  }
0xe: {  	s1 =	simm.s32 $0x10800;
	s0 =	smax.u32 s0, $0x1;
	[dreg:$0x3] =	wrdreg s26  }
0xf: {  	v1 =	vor.u32 $0x800, v0;
	v2 =	vor.u32 $0x1000, v0;
	v3 =	vor.u32 $0x1800, v0;
	s6 =	simm.s32 $0x11000;
	[dreg:$0x4] =	wrdreg s0;
	s0 =	simm.s32 $0x10C00  }
.LBB2_1:
0x10: {  	[dreg:$0x5] =	wrdreg s22  }
0x11: {  	s21 =	rddreg [dreg:$0x3];
	s25 =	simm.s32 $0x5  }
0x12: {  	[tilespmem:s3], [sflag:$0x5] =	stream.linear.gather [hbm4b:s21+s3], $0x6400, $0x38;
	[tilespmem:$0x12400] =	vst v63  }
0x13: {  	_ =	swait.ge [sflag:s25], $0x6400  }
0x14: {  	[sflag:s25] =	ssyncset.done $0x0  }
0x15: {  	s26 =	simm.s32 $0x6400;
	s21 =	simm.s32 $0x0;
	[sflag:s25] =	ssyncadd.s32 $0xFFFF9C00  }
0x16: {  	[tilespmem:s26], [sflag:$0x1] =	stream.indirect.gather [hbm4b:s4+s16], $0x80, s3, s16, $0xb8;
	[tilespmem:$0x12400] =	vst v63  }
.LBB2_2:
0x17: {  	s22 =	sshllo.u32 s21, $0x1  }
0x18: {  	s23 =	sshll.u32 s22, $0x7  }
0x19: {  	s24 =	simm.s32 $0xA400;
	s23 =	sand.u32 $0x3FFFFF80, s23  }
0x1a: {  	[tilespmem:s24], [sflag:$0x2] =	stream.indirect.gather [hbm4b:s4+s16], $0x80, s23, s16, $0xb8;
	[tilespmem:$0x12400] =	vst v63  }
0x1b: {  	_ =	swait.ge [sflag:s19], $0x4000  }
0x1c: {  	p0 =	seq.s32 s21, $0x0;
	[sflag:s19] =	ssyncset.done $0x0  }
0x1d: {  	s23 =	simm.s32 @!p0 $0x3;
	[sflag:s19] =	ssyncadd.s32 $0xFFFFC000  }
0x1e: {  	v4 =	vimm.s32 $0x0;
	_ =	swait.ge @!p0 [sflag:s23], $0x2000  }
0x1f: {  	v5 =	vand.u32 $0xFFFFFF80, v4;
	[sflag:s23] =	ssyncset.done @!p0 $0x0  }
0x20: {  	v7 =	vand.u32 $0x78, v4;
	v6 =	vadd.s32 v0, v5;
	[sflag:s23] =	ssyncadd.s32 @!p0 $0xFFFFE000;
	s23 =	simm.s32 $0x6600  }
0x21: {  	v8 =	vor.u32 v7, v6;
	v9 =	vld [tilespmem:s23+$0xFFFFFE00]  }
0x22: {  	v12 =	vor.u32 $0x3, v7  }
0x23: {  	v13 =	vor.u32 $0x1, v7;
	v11 =	vor.u32 v12, v6;
	v10 =	vld [tilespmem:s23+$0xFFFFFF80]  }
0x24: {  	v16 =	vor.u32 $0x4, v7;
	v15 =	vor.u32 v13, v6;
	v14 =	vld [tilespmem:s23+$0xFFFFFE80]  }
0x25: {  	v19 =	vor.u32 $0x5, v7;
	v18 =	vor.u32 v16, v6;
	v17 =	vld [tilespmem:s23+$0x0]  }
0x26: {  	v24 =	vor.u32 $0x6, v7;
	v21 =	vor.u32 v19, v6;
	[tilespmem:v8+s20+$0x0] =	vst.idx.msk $0xffff, v9;
	v8 =	vld [tilespmem:s23+$0x80]  }
0x27: {  	v22 =	vor.u32 $0x7, v7;
	v20 =	vld [tilespmem:s23+$0x100];
	v9 =	vor.u32 v24, v6  }
0x28: {  	v25 =	vor.u32 $0x2, v7;
	v26 =	vor.u32 v22, v6;
	[tilespmem:v11+s20+$0x0] =	vst.idx.msk $0xffff, v10;
	v10 =	vld [tilespmem:s23+$0x180]  }
0x29: {  	v6 =	vor.u32 v25, v6;
	v11 =	vadd.s32 v1, v5;
	[tilespmem:v15+s20+$0x0] =	vst.idx.msk $0xffff, v14;
	v14 =	vld [tilespmem:s23+$0xFFFFFF00]  }
0x2a: {  	[tilespmem:v18+s20+$0x0] =	vst.idx.msk $0xffff, v17;
	v15 =	vld [tilespmem:s23+$0xFFFFFF90];
	v27 =	vor.u32 v12, v11  }
0x2b: {  	v17 =	vld [tilespmem:s23+$0x10];
	v18 =	vor.u32 v16, v11;
	[tilespmem:v21+s20+$0x0] =	vst.idx.msk $0xffff, v8  }
0x2c: {  	v23 =	vld [tilespmem:s23+$0xFFFFFE10];
	v31 =	vor.u32 v7, v11;
	[tilespmem:v9+s20+$0x0] =	vst.idx.msk $0xffff, v20  }
0x2d: {  	v8 =	vor.u32 v13, v11;
	v21 =	vld [tilespmem:s23+$0xFFFFFE90];
	[tilespmem:v26+s20+$0x0] =	vst.idx.msk $0xffff, v10  }
0x2e: {  	v9 =	vor.u32 v24, v11;
	[tilespmem:v6+s20+$0x0] =	vst.idx.msk $0xffff, v14;
	v20 =	vld [tilespmem:s23+$0x110]  }
0x2f: {  	v63 =	vor.u32 v22, v11;
	[tilespmem:v27+s20+$0x0] =	vst.idx.msk $0xffff, v15;
	v15 =	vld [tilespmem:s23+$0x190]  }
0x30: {  	v28 =	vadd.s32 v2, v5;
	v10 =	vor.u32 v19, v11;
	v6 =	vld [tilespmem:s23+$0x90];
	[tilespmem:v18+s20+$0x0] =	vst.idx.msk $0xffff, v17  }
0x31: {  	v29 =	vor.u32 v12, v28;
	[tilespmem:v31+s20+$0x0] =	vst.idx.msk $0xffff, v23;
	v27 =	vld [tilespmem:s23+$0xFFFFFFA0]  }
0x32: {  	v17 =	vor.u32 v16, v28;
	[tilespmem:v8+s20+$0x0] =	vst.idx.msk $0xffff, v21;
	v8 =	vld [tilespmem:s23+$0x20]  }
0x33: {  	v5 =	vadd.s32 v3, v5;
	v30 =	vld [tilespmem:s23+$0xFFFFFF10];
	v21 =	vor.u32 v25, v11;
	[tilespmem:v9+s20+$0x0] =	vst.idx.msk $0xffff, v20  }
0x34: {  	v34 =	vor.u32 v19, v28;
	[tilespmem:v63+s20+$0x0] =	vst.idx.msk $0xffff, v15;
	v15 =	vor.u32 v19, v5;
	v19 =	vld [tilespmem:s23+$0xFFFFFEA0]  }
0x35: {  	v33 =	vor.u32 v24, v28;
	[tilespmem:v10+s20+$0x0] =	vst.idx.msk $0xffff, v6;
	v32 =	vld [tilespmem:s23+$0x120]  }
0x36: {  	v35 =	vld [tilespmem:s23+$0xA0];
	[tilespmem:v29+s20+$0x0] =	vst.idx.msk $0xffff, v27  }
0x37: {  	v12 =	vor.u32 v12, v5;
	v14 =	vor.u32 v22, v28;
	v18 =	vld [tilespmem:s23+$0x1A0];
	[tilespmem:v17+s20+$0x0] =	vst.idx.msk $0xffff, v8  }
0x38: {  	v11 =	vor.u32 v7, v28;
	[tilespmem:v21+s20+$0x0] =	vst.idx.msk $0xffff, v30;
	v21 =	vor.u32 v16, v5;
	v20 =	vld [tilespmem:s23+$0x30]  }
0x39: {  	v9 =	vor.u32 v13, v28;
	v10 =	vor.u32 v25, v28;
	v6 =	vld [tilespmem:s23+$0xFFFFFFB0];
	v16 =	vor.u32 v22, v5  }
0x3a: {  	v8 =	vor.u32 v7, v5;
	v7 =	vor.u32 v13, v5;
	v23 =	vld [tilespmem:s23+$0xFFFFFF20];
	[tilespmem:v33+s20+$0x0] =	vst.idx.msk $0xffff, v32  }
0x3b: {  	s25 =	simm.s32 $0x0;
	s26 =	simm.s32 $0x6A00;
	v4 =	vadd.s32 $0x8, v4;
	s24 =	sshll.u32 s21, $0x1;
	v22 =	vld [tilespmem:s23+$0xFFFFFE20];
	v17 =	vor.u32 v25, v5;
	v13 =	vor.u32 v24, v5;
	[tilespmem:v34+s20+$0x0] =	vst.idx.msk $0xffff, v35  }
.LBB2_3:
0x3c: {  	v24 =	vand.u32 $0xFFFFFF80, v4;
	v5 =	vand.u32 $0x78, v4;
	s25 =	sadd.s32 $0x8, s25;
	v25 =	vld [tilespmem:s23+$0xB0];
	[tilespmem:v14+s20+$0x0] =	vst.idx.msk $0xffff, v18  }
0x3d: {  	v14 =	vadd.s32 v0, v24;
	v26 =	vor.u32 $0x3, v5;
	v27 =	vor.u32 $0x7, v5;
	p1 =	slt.u32 s25, $0x78;
	[tilespmem:v21+s20+$0x0] =	vst.idx.msk $0xffff, v20;
	v18 =	vld [tilespmem:s23+$0x1B0]  }
0x3e: {  	v28 =	vor.u32 $0x1, v5;
	v20 =	vor.u32 v5, v14;
	v21 =	vld [tilespmem:s26+$0xFFFFFF80];
	v29 =	vor.u32 v26, v14;
	[tilespmem:v9+s20+$0x0] =	vst.idx.msk $0xffff, v19  }
0x3f: {  	v30 =	vor.u32 $0x2, v5;
	v19 =	vor.u32 v28, v14;
	v31 =	vor.u32 v27, v14;
	v9 =	vld [tilespmem:s26+$0xFFFFFE00];
	[tilespmem:v10+s20+$0x0] =	vst.idx.msk $0xffff, v23  }
0x40: {  	v32 =	vor.u32 $0x5, v5;
	v10 =	vor.u32 v30, v14;
	v23 =	vor.u32 $0x4, v5;
	[tilespmem:v11+s20+$0x0] =	vst.idx.msk $0xffff, v22;
	v11 =	vld [tilespmem:s23+$0xFFFFFF30]  }
0x41: {  	v34 =	vor.u32 $0x6, v5;
	v33 =	vor.u32 v32, v14;
	v22 =	vor.u32 v23, v14;
	[tilespmem:v15+s20+$0x0] =	vst.idx.msk $0xffff, v25;
	v15 =	vld [tilespmem:s23+$0x130]  }
0x42: {  	v14 =	vor.u32 v34, v14;
	v25 =	vld [tilespmem:s23+$0xFFFFFE30];
	[tilespmem:v16+s20+$0x0] =	vst.idx.msk $0xffff, v18  }
0x43: {  	[tilespmem:v29+s20+$0x0] =	vst.idx.msk $0xffff, v21;
	v16 =	vld [tilespmem:s23+$0xFFFFFEB0];
	s23 =	smov.u32 s26  }
0x44: {  	v18 =	vld [tilespmem:s26+$0xFFFFFE80];
	[tilespmem:v12+s20+$0x0] =	vst.idx.msk $0xffff, v6  }
0x45: {  	v6 =	vld [tilespmem:s26+$0x0];
	[tilespmem:v17+s20+$0x0] =	vst.idx.msk $0xffff, v11  }
0x46: {  	[tilespmem:v20+s20+$0x0] =	vst.idx.msk $0xffff, v9;
	v9 =	vld [tilespmem:s26+$0x100]  }
0x47: {  	v11 =	vld [tilespmem:s26+$0x80];
	[tilespmem:v8+s20+$0x0] =	vst.idx.msk $0xffff, v25  }
0x48: {  	v8 =	vld [tilespmem:s26+$0xFFFFFE10];
	[tilespmem:v13+s20+$0x0] =	vst.idx.msk $0xffff, v15  }
0x49: {  	v12 =	vld [tilespmem:s26+$0x180];
	[tilespmem:v7+s20+$0x0] =	vst.idx.msk $0xffff, v16  }
0x4a: {  	v7 =	vadd.s32 v1, v24;
	[tilespmem:v19+s20+$0x0] =	vst.idx.msk $0xffff, v18;
	v13 =	vld [tilespmem:s26+$0xFFFFFF00]  }
0x4b: {  	v15 =	vor.u32 v28, v7;
	v17 =	vor.u32 v26, v7;
	v16 =	vld [tilespmem:s26+$0xFFFFFF90];
	[tilespmem:v22+s20+$0x0] =	vst.idx.msk $0xffff, v6  }
0x4c: {  	v18 =	vor.u32 v23, v7;
	v6 =	vld [tilespmem:s26+$0x10];
	[tilespmem:v33+s20+$0x0] =	vst.idx.msk $0xffff, v11;
	v11 =	vor.u32 v34, v7  }
0x4d: {  	v20 =	vor.u32 v32, v7;
	v21 =	vor.u32 v27, v7;
	v19 =	vld [tilespmem:s26+$0xFFFFFE90];
	[tilespmem:v14+s20+$0x0] =	vst.idx.msk $0xffff, v9  }
0x4e: {  	v22 =	vor.u32 v5, v7;
	v7 =	vor.u32 v30, v7;
	v25 =	vld [tilespmem:s26+$0x110];
	[tilespmem:v31+s20+$0x0] =	vst.idx.msk $0xffff, v12  }
0x4f: {  	[tilespmem:v10+s20+$0x0] =	vst.idx.msk $0xffff, v13;
	v12 =	vld [tilespmem:s26+$0x90]  }
0x50: {  	v13 =	vadd.s32 v2, v24;
	[tilespmem:v17+s20+$0x0] =	vst.idx.msk $0xffff, v16;
	v16 =	vld [tilespmem:s26+$0x190]  }
0x51: {  	v29 =	vor.u32 v26, v13;
	v31 =	vor.u32 v32, v13;
	v17 =	vld [tilespmem:s26+$0xFFFFFFA0];
	[tilespmem:v18+s20+$0x0] =	vst.idx.msk $0xffff, v6  }
0x52: {  	v14 =	vor.u32 v27, v13;
	[tilespmem:v15+s20+$0x0] =	vst.idx.msk $0xffff, v19;
	v15 =	vld [tilespmem:s26+$0x20];
	v19 =	vor.u32 v23, v13  }
0x53: {  	v9 =	vor.u32 v28, v13;
	v10 =	vor.u32 v30, v13;
	v33 =	vld [tilespmem:s26+$0xFFFFFF10];
	[tilespmem:v11+s20+$0x0] =	vst.idx.msk $0xffff, v25  }
0x54: {  	v11 =	vor.u32 v5, v13;
	v13 =	vor.u32 v34, v13;
	[tilespmem:v20+s20+$0x0] =	vst.idx.msk $0xffff, v12;
	v25 =	vld [tilespmem:s26+$0x120]  }
0x55: {  	v35 =	vld [tilespmem:s26+$0xA0];
	[tilespmem:v21+s20+$0x0] =	vst.idx.msk $0xffff, v16  }
0x56: {  	[tilespmem:v29+s20+$0x0] =	vst.idx.msk $0xffff, v17;
	v18 =	vld [tilespmem:s26+$0x1A0]  }
.Ltmp0:
0x57: {  	v24 =	vadd.s32 v3, v24;
	v6 =	vld [tilespmem:s26+$0xFFFFFFB0];
	[tilespmem:v19+s20+$0x0] =	vst.idx.msk $0xffff, v15;
	(pc) =	sbr.rel @p1 .LBB2_3-.Ltmp0, $4  }
0x58: {  	v21 =	vor.u32 v23, v24;
	v15 =	vor.u32 v32, v24;
	[tilespmem:v7+s20+$0x0] =	vst.idx.msk $0xffff, v33;
	v20 =	vld [tilespmem:s26+$0x30]  }
0x59: {  	v12 =	vor.u32 v26, v24;
	v16 =	vor.u32 v27, v24;
	v19 =	vld [tilespmem:s26+$0xFFFFFEA0];
	[tilespmem:v13+s20+$0x0] =	vst.idx.msk $0xffff, v25  }
0x5a: {  	v7 =	vor.u32 v28, v24;
	[tilespmem:v22+s20+$0x0] =	vst.idx.msk $0xffff, v8;
	v8 =	vor.u32 v5, v24;
	v23 =	vld [tilespmem:s26+$0xFFFFFF20]  }
0x5b: {  	v4 =	vadd.s32 $0x8, v4;
	v17 =	vor.u32 v30, v24;
	v13 =	vor.u32 v34, v24;
	s26 =	sadd.s32 $0x400, s26;
	v22 =	vld [tilespmem:s23+$0xFFFFFE20];
	[tilespmem:v31+s20+$0x0] =	vst.idx.msk $0xffff, v35  }
0x5c: {  	_ =	sdelay $0x3  }
0x5d: {  	v4 =	vld [tilespmem:s23+$0xB0];
	[tilespmem:v14+s20+$0x0] =	vst.idx.msk $0xffff, v18  }
0x5e: {  	[tilespmem:v12+s20+$0x0] =	vst.idx.msk $0xffff, v6;
	v5 =	vld [tilespmem:s23+$0x1B0]  }
0x5f: {  	[tilespmem:v10+s20+$0x0] =	vst.idx.msk $0xffff, v23  }
0x60: {  	[tilespmem:v11+s20+$0x0] =	vst.idx.msk $0xffff, v22;
	v10 =	vld [tilespmem:s23+$0xFFFFFF30]  }
0x61: {  	[tilespmem:v9+s20+$0x0] =	vst.idx.msk $0xffff, v19;
	v63 =	vld [tilespmem:s23+$0xFFFFFE30]  }
0x62: {  	[tilespmem:v15+s20+$0x0] =	vst.idx.msk $0xffff, v4;
	v4 =	vld [tilespmem:s23+$0x130]  }
0x63: {  	[tilespmem:v16+s20+$0x0] =	vst.idx.msk $0xffff, v5;
	v5 =	vld [tilespmem:s23+$0xFFFFFEB0]  }
0x64: {  	s25 =	sadd.s32 s5, s24;
	[tilespmem:v21+s20+$0x0] =	vst.idx.msk $0xffff, v20  }
0x65: {  	s24 =	sshll.u32 s25, $0xA;
	s23 =	sshll.u32 s25, $0x7;
	[tilespmem:v17+s20+$0x0] =	vst.idx.msk $0xffff, v10  }
0x66: {  	s24 =	sand.u32 $0xFFE0000, s24;
	s23 =	sand.u32 $0x3F00, s23;
	[tilespmem:v8+s20+$0x0] =	vst.idx.msk $0xffff, v63  }
0x67: {  	s23 =	sor.u32 s23, s24;
	[tilespmem:v13+s20+$0x0] =	vst.idx.msk $0xffff, v4  }
0x68: {  	s24 =	sadd.s32 s2, s23;
	[tilespmem:v7+s20+$0x0] =	vst.idx.msk $0xffff, v5  }
0x69: {  	[hbm4b:s24+s3] =	stream.linear.scatter [tilespmem:s20], [sflag:$0x3], $0x400, $0x38;
	[tilespmem:$0x12400] =	vst v63  }
0x6a: {  	s25 =	simm.s32 $0xE800;
	s26 =	sadd.s32 s23, s7  }
0x6b: {  	[hbm4b:s26+s3] =	stream.linear.scatter [tilespmem:s25], [sflag:$0x3], $0x400, $0x38;
	[tilespmem:$0x12400] =	vst v63  }
0x6c: {  	s25 =	sadd.s32 s23, s8;
	s26 =	simm.s32 $0xEC00  }
0x6d: {  	[hbm4b:s25+s3] =	stream.linear.scatter [tilespmem:s26], [sflag:$0x3], $0x400, $0x38;
	[tilespmem:$0x12400] =	vst v63  }
0x6e: {  	s25 =	sadd.s32 s23, s9;
	s26 =	simm.s32 $0xF000  }
0x6f: {  	[hbm4b:s25+s3] =	stream.linear.scatter [tilespmem:s26], [sflag:$0x3], $0x400, $0x38;
	[tilespmem:$0x12400] =	vst v63  }
0x70: {  	s25 =	sadd.s32 s23, s10;
	s26 =	simm.s32 $0xF400  }
0x71: {  	[hbm4b:s25+s3] =	stream.linear.scatter [tilespmem:s26], [sflag:$0x3], $0x400, $0x38;
	[tilespmem:$0x12400] =	vst v63  }
0x72: {  	p1 =	sne.s32 s21, $0x63;
	s25 =	sadd.s32 s23, s11;
	s26 =	simm.s32 $0xF800  }
0x73: {  	[hbm4b:s25+s3] =	stream.linear.scatter [tilespmem:s26], [sflag:$0x3], $0x400, $0x38;
	[tilespmem:$0x12400] =	vst v63  }
.Ltmp1:
0x74: {  	_ = 	snop;
	(pc) =	sbr.rel @p1 .LBB2_6-.Ltmp1, $4  }
0x75: {  	s25 =	sadd.s32 s23, s12;
	s26 =	simm.s32 $0xFC00  }
0x76: {  	[hbm4b:s25+s3] =	stream.linear.scatter [tilespmem:s26], [sflag:$0x3], $0x400, $0x38;
	[tilespmem:$0x12400] =	vst v63  }
0x77: {  	s23 =	sadd.s32 s23, s13  }
0x78: {  	[hbm4b:s23+s3] =	stream.linear.scatter [tilespmem:s28], [sflag:$0x3], $0x400, $0x38;
	[tilespmem:$0x12400] =	vst v63  }
.Ltmp2:
0x79: {  	(pc) =	sbr.rel .LBB2_7-.Ltmp2, $4  }
0x7a: {  	_ = 	snop  }
0x7b: {  	_ =	swait.ge [sflag:s29], $0x4000  }
0x7c: {  	[sflag:s29] =	ssyncset.done $0x0  }
0x7d: {  	[sflag:s29] =	ssyncadd.s32 $0xFFFFC000  }
.LBB2_6:
0x7e: {  	s23 =	sshll.u32 s21, $0x8  }
0x7f: {  	s23 =	sand.u32 $0x3FFFFF00, s23  }
.Ltmp3:
0x80: {  	s24 =	simm.s32 $0x6400;
	s23 =	sadd.s32 $0x100, s23;
	(pc) =	sbr.rel @p0 .LBB2_8-.Ltmp3, $4  }
0x81: {  	[tilespmem:s24], [sflag:$0x1] =	stream.indirect.gather [hbm4b:s4+s16], $0x80, s23, s16, $0xb8;
	[tilespmem:$0x12400] =	vst v63  }
0x82: {  	_ =	swait.ge [sflag:s29], $0x4000  }
0x83: {  	[sflag:s29] =	ssyncset.done $0x0  }
0x84: {  	[sflag:s29] =	ssyncadd.s32 $0xFFFFC000  }
.LBB2_7:
0x85: {  	_ =	swait.ge [sflag:s30], $0x2000  }
0x86: {  	[sflag:s30] =	ssyncset.done $0x0  }
0x87: {  	[sflag:s30] =	ssyncadd.s32 $0xFFFFE000  }
.LBB2_8:
0x88: {  	v4 =	vimm.s32 $0x0  }
0x89: {  	v5 =	vand.u32 $0xFFFFFF80, v4  }
0x8a: {  	s23 =	simm.s32 $0xA600;
	v7 =	vand.u32 $0x78, v4;
	v6 =	vadd.s32 v0, v5  }
0x8b: {  	v9 =	vld [tilespmem:s23+$0xFFFFFE00];
	v8 =	vor.u32 v7, v6  }
0x8c: {  	v12 =	vor.u32 $0x3, v7  }
0x8d: {  	v10 =	vld [tilespmem:s23+$0xFFFFFF80];
	v13 =	vor.u32 $0x1, v7;
	v11 =	vor.u32 v12, v6  }
0x8e: {  	v14 =	vld [tilespmem:s23+$0xFFFFFE80];
	v16 =	vor.u32 $0x4, v7;
	v15 =	vor.u32 v13, v6  }
0x8f: {  	v17 =	vld [tilespmem:s23+$0x0];
	v19 =	vor.u32 $0x5, v7;
	v18 =	vor.u32 v16, v6  }
0x90: {  	v24 =	vor.u32 $0x6, v7;
	v21 =	vor.u32 v19, v6;
	[tilespmem:v8+s31+$0x0] =	vst.idx.msk $0xffff, v9;
	v8 =	vld [tilespmem:s23+$0x80]  }
0x91: {  	v20 =	vld [tilespmem:s23+$0x100];
	v22 =	vor.u32 $0x7, v7;
	v9 =	vor.u32 v24, v6  }
0x92: {  	v25 =	vor.u32 $0x2, v7;
	v26 =	vor.u32 v22, v6;
	[tilespmem:v11+s31+$0x0] =	vst.idx.msk $0xffff, v10;
	v10 =	vld [tilespmem:s23+$0x180]  }
0x93: {  	v6 =	vor.u32 v25, v6;
	v11 =	vadd.s32 v1, v5;
	[tilespmem:v15+s31+$0x0] =	vst.idx.msk $0xffff, v14;
	v14 =	vld [tilespmem:s23+$0xFFFFFF00]  }
0x94: {  	[tilespmem:v18+s31+$0x0] =	vst.idx.msk $0xffff, v17;
	v15 =	vld [tilespmem:s23+$0xFFFFFF90];
	v27 =	vor.u32 v12, v11  }
0x95: {  	v17 =	vld [tilespmem:s23+$0x10];
	v18 =	vor.u32 v16, v11;
	[tilespmem:v21+s31+$0x0] =	vst.idx.msk $0xffff, v8  }
0x96: {  	v23 =	vld [tilespmem:s23+$0xFFFFFE10];
	v31 =	vor.u32 v7, v11;
	[tilespmem:v9+s31+$0x0] =	vst.idx.msk $0xffff, v20  }
0x97: {  	v8 =	vor.u32 v13, v11;
	v21 =	vld [tilespmem:s23+$0xFFFFFE90];
	[tilespmem:v26+s31+$0x0] =	vst.idx.msk $0xffff, v10  }
0x98: {  	v9 =	vor.u32 v24, v11;
	[tilespmem:v6+s31+$0x0] =	vst.idx.msk $0xffff, v14;
	v20 =	vld [tilespmem:s23+$0x110]  }
0x99: {  	v63 =	vor.u32 v22, v11;
	[tilespmem:v27+s31+$0x0] =	vst.idx.msk $0xffff, v15;
	v15 =	vld [tilespmem:s23+$0x190]  }
0x9a: {  	v28 =	vadd.s32 v2, v5;
	v10 =	vor.u32 v19, v11;
	v6 =	vld [tilespmem:s23+$0x90];
	[tilespmem:v18+s31+$0x0] =	vst.idx.msk $0xffff, v17  }
0x9b: {  	v29 =	vor.u32 v12, v28;
	[tilespmem:v31+s31+$0x0] =	vst.idx.msk $0xffff, v23;
	v27 =	vld [tilespmem:s23+$0xFFFFFFA0]  }
0x9c: {  	v17 =	vor.u32 v16, v28;
	[tilespmem:v8+s31+$0x0] =	vst.idx.msk $0xffff, v21;
	v8 =	vld [tilespmem:s23+$0x20]  }
0x9d: {  	v5 =	vadd.s32 v3, v5;
	v30 =	vld [tilespmem:s23+$0xFFFFFF10];
	v21 =	vor.u32 v25, v11;
	[tilespmem:v9+s31+$0x0] =	vst.idx.msk $0xffff, v20  }
0x9e: {  	v34 =	vor.u32 v19, v28;
	[tilespmem:v63+s31+$0x0] =	vst.idx.msk $0xffff, v15;
	v15 =	vor.u32 v19, v5;
	v19 =	vld [tilespmem:s23+$0xFFFFFEA0]  }
0x9f: {  	v33 =	vor.u32 v24, v28;
	[tilespmem:v10+s31+$0x0] =	vst.idx.msk $0xffff, v6;
	v32 =	vld [tilespmem:s23+$0x120]  }
0xa0: {  	v35 =	vld [tilespmem:s23+$0xA0];
	[tilespmem:v29+s31+$0x0] =	vst.idx.msk $0xffff, v27  }
0xa1: {  	v12 =	vor.u32 v12, v5;
	v14 =	vor.u32 v22, v28;
	v18 =	vld [tilespmem:s23+$0x1A0];
	[tilespmem:v17+s31+$0x0] =	vst.idx.msk $0xffff, v8  }
0xa2: {  	v11 =	vor.u32 v7, v28;
	[tilespmem:v21+s31+$0x0] =	vst.idx.msk $0xffff, v30;
	v21 =	vor.u32 v16, v5;
	v20 =	vld [tilespmem:s23+$0x30]  }
0xa3: {  	v9 =	vor.u32 v13, v28;
	v10 =	vor.u32 v25, v28;
	v6 =	vld [tilespmem:s23+$0xFFFFFFB0];
	v16 =	vor.u32 v22, v5  }
0xa4: {  	v8 =	vor.u32 v7, v5;
	v7 =	vor.u32 v13, v5;
	v23 =	vld [tilespmem:s23+$0xFFFFFF20];
	[tilespmem:v33+s31+$0x0] =	vst.idx.msk $0xffff, v32  }
0xa5: {  	s24 =	simm.s32 $0x0;
	s25 =	simm.s32 $0xAA00;
	v4 =	vadd.s32 $0x8, v4;
	v22 =	vld [tilespmem:s23+$0xFFFFFE20];
	v17 =	vor.u32 v25, v5;
	v13 =	vor.u32 v24, v5;
	[tilespmem:v34+s31+$0x0] =	vst.idx.msk $0xffff, v35  }
.LBB2_9:
0xa6: {  	v24 =	vand.u32 $0xFFFFFF80, v4;
	v5 =	vand.u32 $0x78, v4;
	s24 =	sadd.s32 $0x8, s24;
	v25 =	vld [tilespmem:s23+$0xB0];
	[tilespmem:v14+s31+$0x0] =	vst.idx.msk $0xffff, v18  }
0xa7: {  	v14 =	vadd.s32 v0, v24;
	v26 =	vor.u32 $0x3, v5;
	v27 =	vor.u32 $0x7, v5;
	p0 =	slt.u32 s24, $0x78;
	[tilespmem:v21+s31+$0x0] =	vst.idx.msk $0xffff, v20;
	v18 =	vld [tilespmem:s23+$0x1B0]  }
0xa8: {  	v28 =	vor.u32 $0x1, v5;
	v20 =	vor.u32 v5, v14;
	v21 =	vld [tilespmem:s25+$0xFFFFFF80];
	v29 =	vor.u32 v26, v14;
	[tilespmem:v9+s31+$0x0] =	vst.idx.msk $0xffff, v19  }
0xa9: {  	v30 =	vor.u32 $0x2, v5;
	v19 =	vor.u32 v28, v14;
	v31 =	vor.u32 v27, v14;
	v9 =	vld [tilespmem:s25+$0xFFFFFE00];
	[tilespmem:v10+s31+$0x0] =	vst.idx.msk $0xffff, v23  }
0xaa: {  	v32 =	vor.u32 $0x5, v5;
	v10 =	vor.u32 v30, v14;
	v23 =	vor.u32 $0x4, v5;
	[tilespmem:v11+s31+$0x0] =	vst.idx.msk $0xffff, v22;
	v11 =	vld [tilespmem:s23+$0xFFFFFF30]  }
0xab: {  	v34 =	vor.u32 $0x6, v5;
	v33 =	vor.u32 v32, v14;
	v22 =	vor.u32 v23, v14;
	[tilespmem:v15+s31+$0x0] =	vst.idx.msk $0xffff, v25;
	v15 =	vld [tilespmem:s23+$0x130]  }
0xac: {  	v14 =	vor.u32 v34, v14;
	v25 =	vld [tilespmem:s23+$0xFFFFFE30];
	[tilespmem:v16+s31+$0x0] =	vst.idx.msk $0xffff, v18  }
0xad: {  	[tilespmem:v29+s31+$0x0] =	vst.idx.msk $0xffff, v21;
	v16 =	vld [tilespmem:s23+$0xFFFFFEB0];
	s23 =	smov.u32 s25  }
0xae: {  	v18 =	vld [tilespmem:s25+$0xFFFFFE80];
	[tilespmem:v12+s31+$0x0] =	vst.idx.msk $0xffff, v6  }
0xaf: {  	v6 =	vld [tilespmem:s25+$0x0];
	[tilespmem:v17+s31+$0x0] =	vst.idx.msk $0xffff, v11  }
0xb0: {  	[tilespmem:v20+s31+$0x0] =	vst.idx.msk $0xffff, v9;
	v9 =	vld [tilespmem:s25+$0x100]  }
0xb1: {  	v11 =	vld [tilespmem:s25+$0x80];
	[tilespmem:v8+s31+$0x0] =	vst.idx.msk $0xffff, v25  }
0xb2: {  	v8 =	vld [tilespmem:s25+$0xFFFFFE10];
	[tilespmem:v13+s31+$0x0] =	vst.idx.msk $0xffff, v15  }
0xb3: {  	v12 =	vld [tilespmem:s25+$0x180];
	[tilespmem:v7+s31+$0x0] =	vst.idx.msk $0xffff, v16  }
0xb4: {  	v7 =	vadd.s32 v1, v24;
	[tilespmem:v19+s31+$0x0] =	vst.idx.msk $0xffff, v18;
	v13 =	vld [tilespmem:s25+$0xFFFFFF00]  }
0xb5: {  	v15 =	vor.u32 v28, v7;
	v17 =	vor.u32 v26, v7;
	v16 =	vld [tilespmem:s25+$0xFFFFFF90];
	[tilespmem:v22+s31+$0x0] =	vst.idx.msk $0xffff, v6  }
0xb6: {  	v18 =	vor.u32 v23, v7;
	v6 =	vld [tilespmem:s25+$0x10];
	[tilespmem:v33+s31+$0x0] =	vst.idx.msk $0xffff, v11;
	v11 =	vor.u32 v34, v7  }
0xb7: {  	v20 =	vor.u32 v32, v7;
	v21 =	vor.u32 v27, v7;
	v19 =	vld [tilespmem:s25+$0xFFFFFE90];
	[tilespmem:v14+s31+$0x0] =	vst.idx.msk $0xffff, v9  }
0xb8: {  	v22 =	vor.u32 v5, v7;
	v7 =	vor.u32 v30, v7;
	v25 =	vld [tilespmem:s25+$0x110];
	[tilespmem:v31+s31+$0x0] =	vst.idx.msk $0xffff, v12  }
0xb9: {  	[tilespmem:v10+s31+$0x0] =	vst.idx.msk $0xffff, v13;
	v12 =	vld [tilespmem:s25+$0x90]  }
0xba: {  	v13 =	vadd.s32 v2, v24;
	[tilespmem:v17+s31+$0x0] =	vst.idx.msk $0xffff, v16;
	v16 =	vld [tilespmem:s25+$0x190]  }
0xbb: {  	v29 =	vor.u32 v26, v13;
	v31 =	vor.u32 v32, v13;
	v17 =	vld [tilespmem:s25+$0xFFFFFFA0];
	[tilespmem:v18+s31+$0x0] =	vst.idx.msk $0xffff, v6  }
0xbc: {  	v14 =	vor.u32 v27, v13;
	[tilespmem:v15+s31+$0x0] =	vst.idx.msk $0xffff, v19;
	v15 =	vld [tilespmem:s25+$0x20];
	v19 =	vor.u32 v23, v13  }
0xbd: {  	v9 =	vor.u32 v28, v13;
	v10 =	vor.u32 v30, v13;
	v33 =	vld [tilespmem:s25+$0xFFFFFF10];
	[tilespmem:v11+s31+$0x0] =	vst.idx.msk $0xffff, v25  }
0xbe: {  	v11 =	vor.u32 v5, v13;
	v13 =	vor.u32 v34, v13;
	[tilespmem:v20+s31+$0x0] =	vst.idx.msk $0xffff, v12;
	v25 =	vld [tilespmem:s25+$0x120]  }
0xbf: {  	v35 =	vld [tilespmem:s25+$0xA0];
	[tilespmem:v21+s31+$0x0] =	vst.idx.msk $0xffff, v16  }
0xc0: {  	[tilespmem:v29+s31+$0x0] =	vst.idx.msk $0xffff, v17;
	v18 =	vld [tilespmem:s25+$0x1A0]  }
.Ltmp4:
0xc1: {  	v24 =	vadd.s32 v3, v24;
	v6 =	vld [tilespmem:s25+$0xFFFFFFB0];
	[tilespmem:v19+s31+$0x0] =	vst.idx.msk $0xffff, v15;
	(pc) =	sbr.rel @p0 .LBB2_9-.Ltmp4, $4  }
0xc2: {  	v21 =	vor.u32 v23, v24;
	v15 =	vor.u32 v32, v24;
	[tilespmem:v7+s31+$0x0] =	vst.idx.msk $0xffff, v33;
	v20 =	vld [tilespmem:s25+$0x30]  }
0xc3: {  	v12 =	vor.u32 v26, v24;
	v16 =	vor.u32 v27, v24;
	v19 =	vld [tilespmem:s25+$0xFFFFFEA0];
	[tilespmem:v13+s31+$0x0] =	vst.idx.msk $0xffff, v25  }
0xc4: {  	v7 =	vor.u32 v28, v24;
	[tilespmem:v22+s31+$0x0] =	vst.idx.msk $0xffff, v8;
	v8 =	vor.u32 v5, v24;
	v23 =	vld [tilespmem:s25+$0xFFFFFF20]  }
0xc5: {  	v4 =	vadd.s32 $0x8, v4;
	v17 =	vor.u32 v30, v24;
	v13 =	vor.u32 v34, v24;
	s25 =	sadd.s32 $0x400, s25;
	v22 =	vld [tilespmem:s23+$0xFFFFFE20];
	[tilespmem:v31+s31+$0x0] =	vst.idx.msk $0xffff, v35  }
0xc6: {  	_ =	sdelay $0x3  }
0xc7: {  	v4 =	vld [tilespmem:s23+$0xB0];
	[tilespmem:v14+s31+$0x0] =	vst.idx.msk $0xffff, v18  }
0xc8: {  	[tilespmem:v12+s31+$0x0] =	vst.idx.msk $0xffff, v6;
	v5 =	vld [tilespmem:s23+$0x1B0]  }
0xc9: {  	[tilespmem:v10+s31+$0x0] =	vst.idx.msk $0xffff, v23  }
0xca: {  	[tilespmem:v11+s31+$0x0] =	vst.idx.msk $0xffff, v22;
	v10 =	vld [tilespmem:s23+$0xFFFFFF30]  }
0xcb: {  	[tilespmem:v9+s31+$0x0] =	vst.idx.msk $0xffff, v19;
	v63 =	vld [tilespmem:s23+$0xFFFFFE30]  }
0xcc: {  	[tilespmem:v15+s31+$0x0] =	vst.idx.msk $0xffff, v4;
	v4 =	vld [tilespmem:s23+$0x130]  }
0xcd: {  	[tilespmem:v16+s31+$0x0] =	vst.idx.msk $0xffff, v5;
	v5 =	vld [tilespmem:s23+$0xFFFFFEB0]  }
0xce: {  	s22 =	sadd.s32 s5, s22;
	[tilespmem:v21+s31+$0x0] =	vst.idx.msk $0xffff, v20  }
0xcf: {  	s26 =	sshll.u32 s22, $0xA;
	s22 =	sshll.u32 s22, $0x7;
	[tilespmem:v17+s31+$0x0] =	vst.idx.msk $0xffff, v10  }
0xd0: {  	s22 =	sand.u32 $0x3F80, s22;
	s23 =	sand.u32 $0xFFE0000, s26;
	[tilespmem:v8+s31+$0x0] =	vst.idx.msk $0xffff, v63  }
0xd1: {  	s22 =	sor.u32 s22, s23;
	[tilespmem:v13+s31+$0x0] =	vst.idx.msk $0xffff, v4  }
0xd2: {  	s23 =	sadd.s32 s2, s22;
	[tilespmem:v7+s31+$0x0] =	vst.idx.msk $0xffff, v5  }
0xd3: {  	[hbm4b:s23+s3] =	stream.linear.scatter [tilespmem:s31], [sflag:$0x4], $0x400, $0x38;
	[tilespmem:$0x12400] =	vst v63  }
0xd4: {  	s24 =	sadd.s32 s22, s7  }
0xd5: {  	[hbm4b:s24+s3] =	stream.linear.scatter [tilespmem:s1], [sflag:$0x4], $0x400, $0x38;
	[tilespmem:$0x12400] =	vst v63  }
0xd6: {  	s25 =	sadd.s32 s22, s8  }
0xd7: {  	[hbm4b:s25+s3] =	stream.linear.scatter [tilespmem:s0], [sflag:$0x4], $0x400, $0x38;
	[tilespmem:$0x12400] =	vst v63  }
0xd8: {  	s26 =	sadd.s32 s22, s9  }
0xd9: {  	[hbm4b:s26+s3] =	stream.linear.scatter [tilespmem:s6], [sflag:$0x4], $0x400, $0x38;
	[tilespmem:$0x12400] =	vst v63  }
0xda: {  	s21 =	sadd.s32 $0x1, s21;
	s24 =	sadd.s32 s22, s10  }
0xdb: {  	[hbm4b:s24+s3] =	stream.linear.scatter [tilespmem:s14], [sflag:$0x4], $0x400, $0x38;
	[tilespmem:$0x12400] =	vst v63  }
0xdc: {  	p0 =	sne.s32 s21, $0x64;
	s25 =	sadd.s32 s22, s11  }
0xdd: {  	[hbm4b:s25+s3] =	stream.linear.scatter [tilespmem:s15], [sflag:$0x4], $0x400, $0x38;
	[tilespmem:$0x12400] =	vst v63  }
.Ltmp5:
0xde: {  	_ = 	snop;
	(pc) =	sbr.rel @p0 .LBB2_2-.Ltmp5, $4  }
0xdf: {  	s26 =	sadd.s32 s22, s12  }
0xe0: {  	[hbm4b:s26+s3] =	stream.linear.scatter [tilespmem:s17], [sflag:$0x4], $0x400, $0x38;
	[tilespmem:$0x12400] =	vst v63  }
0xe1: {  	s22 =	sadd.s32 s22, s13  }
0xe2: {  	[hbm4b:s22+s3] =	stream.linear.scatter [tilespmem:s18], [sflag:$0x4], $0x400, $0x38;
	[tilespmem:$0x12400] =	vst v63  }
0xe3: {  	s21 =	simm.s32 $0x3  }
0xe4: {  	_ =	swait.ge [sflag:s21], $0x2000  }
0xe5: {  	[sflag:s21] =	ssyncset.done $0x0  }
0xe6: {  	[sflag:s21] =	ssyncadd.s32 $0xFFFFE000  }
0xe7: {  	_ =	swait.ge [sflag:s30], $0x2000  }
0xe8: {  	s22 =	rddreg [dreg:$0x5]  }
0xe9: {  	s26 =	rddreg [dreg:$0x4];
	s22 =	sadd.s32 $0x1, s22  }
0xea: {  	p0 =	sne.s32 s22, s26  }
.Ltmp6:
0xeb: {  	_ = 	snop;
	(pc) =	sbr.rel @p0 .LBB2_1-.Ltmp6, $3  }
0xec: {  	_ =	sdelay $0x1  }
0xed: {  	[sflag:s30] =	ssyncset.done $0x0  }
0xee: {  	[sflag:s30] =	ssyncadd.s32 $0xFFFFE000  }
0xef: {  	_ =	sfence.sel $0x180000  }
0xf0: {  	[bflag:$0x0] =	sbarrier.arrive $0xFFFF  }
0xf1: {  	_ =	strace $0x90000047  }
0xf2: {  	s0 =	stileid.u32;
	[bflag:$0x2] =	sbarrier.arrive $0xFFFF  }
0xf3: {  	p0 =	sne.s32 s0, $0x0;
	s0 =	rddreg [dreg:$0x2]  }
0xf4: {  	s0 =	sadd.s32 @!p0 $0x100000, s0  }
0xf5: {  	[sflag:s0] =	ssyncadd.tile.s32 @!p0 $0x1;
	_ =	shalt  }
.Lfunc_end2:
_tile_overlayer_lowered:
.L_overlay_start_2:
0xf6: {  	(tag) =	ssettag $0x2  }
0xf7: {  	s0 =	rddreg [dreg:$0x0];
	s2 =	stileid.u32  }
0xf8: {  	s1 =	rddreg [dreg:$0x1];
	p0 =	sne.s32 s2, $0x0  }
0xf9: {  	s3 =	rddreg [dreg:$0x2];
	[bflag:$0x3] =	sbarrier.arrive $0xFFFF;
	s2 =	simm.s32 @!p0 $0x1C05  }
0xfa: {  	[timem:s3], [sflag:s2] =	dma.local @!p0 [hbm:s0], s1  }
0xfb: {  	s0 =	simm.s32 @!p0 $0x5  }
0xfc: {  	_ =	swait.ge @!p0 [sflag:s0], s1  }
0xfd: {  	s1 =	ssub.s32 @!p0 $0x0, s1;
	[sflag:s0] =	ssyncset.done @!p0 $0x0  }
0xfe: {  	[sflag:s0] =	ssyncadd.s32 @!p0 s1  }
0xff: {  	[bflag:$0x3] =	sbarrier.arrive $0xFFFF  }
0x100: {  	_ =	shalt  }

</sc_bundles>
